<compile_context>
chip_gen: v7x
topology: tpu7x:2x2x1
jax: 0.10.2.dev20260603
libtpu: 0.0.44.dev20260713+nightly
codegen_flags: <defaults>
</compile_context>

<pallas_src>
import functools

import jax
import jax.numpy as jnp
from jax import lax
from jax.experimental import pallas as pl
from jax.experimental.pallas import tpu as pltpu
from jax.experimental.pallas import tpu_sc as plsc

N = 10000
H = 128
E = 320000
NUSERS = 4000

NC = 2
NS = 16
E_PER_SC = E // NC
E_PER_TILE = E_PER_SC // NS
CHUNK = 80
NCHUNK = E_PER_TILE // CHUNK
NBLK = 5
BLK = NCHUNK // NBLK
NBUF = 4
ROWS_PER_TILE = 624
TAIL0 = NS * ROWS_PER_TILE
TAILN = N - TAIL0
DEGW = 128


def _sliced_copy(src_ref, dst_ref, s):
    r0 = s * ROWS_PER_TILE
    pltpu.sync_copy(src_ref.at[pl.ds(r0, ROWS_PER_TILE)],
                    dst_ref.at[pl.ds(r0, ROWS_PER_TILE)])
    @pl.when(s == NS - 1)
    def _():
        pltpu.sync_copy(src_ref.at[pl.ds(TAIL0, TAILN)],
                        dst_ref.at[pl.ds(TAIL0, TAILN)])


def _drain_copy(acc_sh, out_hbm, c, s):
    r0 = s * ROWS_PER_TILE
    pltpu.sync_copy(acc_sh.at[pl.ds(r0, ROWS_PER_TILE)],
                    out_hbm.at[c, pl.ds(r0, ROWS_PER_TILE)])
    @pl.when(s == NS - 1)
    def _():
        pltpu.sync_copy(acc_sh.at[pl.ds(TAIL0, TAILN)],
                        out_hbm.at[c, pl.ds(TAIL0, TAILN)])

_mesh = plsc.VectorSubcoreMesh(
    core_axis_name="c", subcore_axis_name="s", num_cores=NC, num_subcores=NS)


@functools.partial(
    pl.kernel,
    out_type=jax.ShapeDtypeStruct((NC, N, DEGW), jnp.float32),
    mesh=_mesh,
    scratch_types=[
        pltpu.VMEM_SHARED((N, DEGW), jnp.float32),
        pltpu.VMEM((BLK, CHUNK), jnp.int32),
        pltpu.VMEM((CHUNK, DEGW), jnp.float32),
    ],
)
def _deg_kernel(dst2d_hbm, zeros_hbm, ones_hbm, out_hbm, acc_sh, didx_v, ones_v):
    c = lax.axis_index("c")
    s = lax.axis_index("s")
    t = c * NS + s
    _sliced_copy(zeros_hbm, acc_sh, s)
    pltpu.sync_copy(ones_hbm, ones_v)
    plsc.subcore_barrier()

    def blk_body(b, carry):
        pltpu.sync_copy(dst2d_hbm.at[t * NBLK + b], didx_v)

        def body(k, cc):
            pltpu.sync_copy(ones_v, acc_sh.at[didx_v.at[k]], add=True)
            return cc
        lax.fori_loop(0, BLK, body, 0)
        return carry
    lax.fori_loop(0, NBLK, blk_body, 0)
    plsc.subcore_barrier()
    _drain_copy(acc_sh, out_hbm, c, s)


@functools.partial(
    pl.kernel,
    out_type=jax.ShapeDtypeStruct((NC, N, H), jnp.float32),
    mesh=_mesh,
    scratch_types=[
        pltpu.VMEM_SHARED((N, H), jnp.float32),
        pltpu.VMEM((BLK, CHUNK), jnp.int32),
        pltpu.VMEM((BLK, CHUNK), jnp.int32),
        pltpu.VMEM((NBUF, CHUNK, H), jnp.float32),
        pltpu.SemaphoreType.DMA((NBUF,)),
        pltpu.SemaphoreType.DMA((NBUF,)),
    ],
)
def _edge_kernel(g_hbm, src2d_hbm, dst2d_hbm, zeros_hbm, out_hbm,
                 acc_sh, sidx_v, didx_v, rows_v, gsem, ssem):
    c = lax.axis_index("c")
    s = lax.axis_index("s")
    t = c * NS + s
    @pl.when(c == 0)
    def _():
        _sliced_copy(g_hbm, acc_sh, s)
    @pl.when(c != 0)
    def _():
        _sliced_copy(zeros_hbm, acc_sh, s)
    plsc.subcore_barrier()

    def blk_body(b, carry):
        pltpu.sync_copy(src2d_hbm.at[t * NBLK + b], sidx_v)
        pltpu.sync_copy(dst2d_hbm.at[t * NBLK + b], didx_v)
        for j in range(NBUF):
            pltpu.async_copy(g_hbm.at[sidx_v.at[j]], rows_v.at[j], gsem.at[j])

        pltpu.make_async_copy(g_hbm.at[sidx_v.at[0]], rows_v.at[0],
                              gsem.at[0]).wait()
        pltpu.async_copy(rows_v.at[0], acc_sh.at[didx_v.at[0]], ssem.at[0],
                         add=True)

        def body(k, cc):
            jp = lax.rem(k - 1, NBUF)
            pltpu.make_async_copy(rows_v.at[jp], acc_sh.at[didx_v.at[k - 1]],
                                  ssem.at[jp]).wait()
            pltpu.async_copy(g_hbm.at[sidx_v.at[k - 1 + NBUF]], rows_v.at[jp],
                             gsem.at[jp])
            j = lax.rem(k, NBUF)
            pltpu.make_async_copy(g_hbm.at[sidx_v.at[k]], rows_v.at[j],
                                  gsem.at[j]).wait()
            pltpu.async_copy(rows_v.at[j], acc_sh.at[didx_v.at[k]],
                             ssem.at[j], add=True)
            return cc
        lax.fori_loop(1, BLK - NBUF + 1, body, 0)

        def tail(k, cc):
            j = lax.rem(k, NBUF)
            pltpu.make_async_copy(g_hbm.at[sidx_v.at[k]], rows_v.at[j],
                                  gsem.at[j]).wait()
            pltpu.async_copy(rows_v.at[j], acc_sh.at[didx_v.at[k]],
                             ssem.at[j], add=True)
            return cc
        lax.fori_loop(BLK - NBUF + 1, BLK, tail, 0)

        def drain(i, cc):
            k = BLK - NBUF + i
            j = lax.rem(k, NBUF)
            pltpu.make_async_copy(rows_v.at[j], acc_sh.at[didx_v.at[k]],
                                  ssem.at[j]).wait()
            return cc
        lax.fori_loop(0, NBUF, drain, 0)
        return carry
    lax.fori_loop(0, NBLK, blk_body, 0)
    plsc.subcore_barrier()
    _drain_copy(acc_sh, out_hbm, c, s)


def _dinv_of(dp_ref):
    deg = dp_ref[0, :, 0:1] + dp_ref[1, :, 0:1] + 1.0
    return lax.rsqrt(deg)


def _mm_body(x_ref, w_ref, o_ref):
    o_ref[...] = jnp.dot(x_ref[...], w_ref[...],
                         preferred_element_type=jnp.float32)


def _scale_body(h_ref, dp_ref, o_ref):
    o_ref[...] = h_ref[...] * _dinv_of(dp_ref)


def _mid_body(sp_ref, dp_ref, w_ref, b_ref, o_ref):
    dinv = _dinv_of(dp_ref)
    x1 = (sp_ref[0] + sp_ref[1]) * dinv + b_ref[...]
    h2 = jnp.dot(x1, w_ref[...], preferred_element_type=jnp.float32)
    o_ref[...] = h2 * dinv


def _post_body(sp_ref, dp_ref, b_ref, o_ref):
    o_ref[...] = (sp_ref[0] + sp_ref[1]) * _dinv_of(dp_ref) + b_ref[...]


def _tc(body, out_shape, *args):
    return pl.pallas_call(
        body, out_shape=jax.ShapeDtypeStruct(out_shape, jnp.float32))(*args)


def kernel(edge_index, users_w, items_w, W1, b1, W2, b2):
    src2d = edge_index[0].astype(jnp.int32).reshape(NC * NS * NBLK, BLK, CHUNK)
    dst2d = edge_index[1].astype(jnp.int32).reshape(NC * NS * NBLK, BLK, CHUNK)
    x = jnp.concatenate([users_w, items_w], axis=0)
    zeros_nh = jnp.zeros((N, H), jnp.float32)
    ones_cd = jnp.ones((CHUNK, DEGW), jnp.float32)
    b1r = b1.reshape(1, H)
    b2r = b2.reshape(1, H)

    deg_parts = _deg_kernel(dst2d, zeros_nh, ones_cd)
    h1 = _tc(_mm_body, (N, H), x, W1)
    g1 = _tc(_scale_body, (N, H), h1, deg_parts)
    s1 = _edge_kernel(g1, src2d, dst2d, zeros_nh)
    g2 = _tc(_mid_body, (N, H), s1, deg_parts, W2, b1r)
    s2 = _edge_kernel(g2, src2d, dst2d, zeros_nh)
    x2 = _tc(_post_body, (N, H), s2, deg_parts, b2r)

    return (x2[:NUSERS], users_w, x2[NUSERS:], items_w)

# --- scband reference (transcript-rebuilt; emitter-appended) ---
"""Pipeline reference for scband-graph-sagemodel-19000935317532 (READ-ONLY COPY).

The authoritative reference and input builder live on the scoring server;
editing this copy changes nothing except your own understanding.
"""

import jax, jax.numpy as jnp
import numpy as np

NUM_USERS = 4000
NUM_ITEMS = 6000
N_NODES = NUM_USERS + NUM_ITEMS
HIDDEN = 128
N_EDGES = 320000


def setup_inputs(seed: int = 0) -> dict:
    key = jax.random.key(seed)
    ks = jax.random.split(key, 8)
    edge_index = jax.random.randint(ks[0], (2, N_EDGES), 0, N_NODES)
    users_w = 0.01 * jax.random.normal(ks[1], (NUM_USERS, HIDDEN), dtype=jnp.float32)
    items_w = 0.01 * jax.random.normal(ks[2], (NUM_ITEMS, HIDDEN), dtype=jnp.float32)
    scale = 1.0 / np.sqrt(HIDDEN)
    W1 = scale * jax.random.normal(ks[3], (HIDDEN, HIDDEN), dtype=jnp.float32)
    b1 = jnp.zeros((HIDDEN,), dtype=jnp.float32)
    W2 = scale * jax.random.normal(ks[4], (HIDDEN, HIDDEN), dtype=jnp.float32)
    b2 = jnp.zeros((HIDDEN,), dtype=jnp.float32)
    return {"edge_index": edge_index, "users_w": users_w, "items_w": items_w,
            "W1": W1, "b1": b1, "W2": W2, "b2": b2}


def _gcn_conv(x, src, dst, W, b):
    # PyG GCNConv: x' = D^{-1/2} (A + I) D^{-1/2} (x W) + b  (self-loops appended to src/dst)
    n = x.shape[0]
    h = x @ W
    deg = jnp.zeros((n,), dtype=h.dtype).at[dst].add(1.0)
    dinv = jnp.where(deg > 0, jax.lax.rsqrt(deg), 0.0)
    norm = dinv[src] * dinv[dst]
    msg = h[src] * norm[:, None]
    out = jnp.zeros_like(h).at[dst].add(msg)
    return out + b


def reference(edge_index, users_w, items_w, W1, b1, W2, b2):
    n = users_w.shape[0] + items_w.shape[0]
    loop = jnp.arange(n, dtype=edge_index.dtype)
    src = jnp.concatenate([edge_index[0], loop])
    dst = jnp.concatenate([edge_index[1], loop])
    x = jnp.concatenate([users_w, items_w], axis=0)
    x = _gcn_conv(x, src, dst, W1, b1)
    x = _gcn_conv(x, src, dst, W2, b2)
    users_out = x[:NUM_USERS]
    items_out = x[NUM_USERS:]
    return (users_out, users_w, items_out, items_w)

if __name__ == "__main__":
    import jax
    _d = setup_inputs()
    print(jax.jit(kernel)(*tuple(_d.values())))

</pallas_src>

<mosaic_0001>
#map = affine_map<(d0, d1) -> (0, 0)>
#map1 = affine_map<(d0, d1) -> (0, 0, 0)>
module attributes {stable_mosaic.version = 14 : i64} {
  func.func @_edge_kernel(%arg0: i32, %arg1: i32, %arg2: memref<10000x128xf32, #tpu.memory_space<hbm>>, %arg3: memref<160x25x80xi32, #tpu.memory_space<hbm>>, %arg4: memref<160x25x80xi32, #tpu.memory_space<hbm>>, %arg5: memref<10000x128xf32, #tpu.memory_space<hbm>>, %arg6: memref<2x10000x128xf32, #tpu.memory_space<hbm>>, %arg7: memref<10000x128xf32, #tpu.memory_space<vmem_shared>>, %arg8: memref<25x80xi32, #tpu.memory_space<vmem>>, %arg9: memref<25x80xi32, #tpu.memory_space<vmem>>, %arg10: memref<4x80x128xf32, #tpu.memory_space<vmem>>, %arg11: memref<4x!tpu.dma_semaphore, #tpu.memory_space<semaphore_mem>>, %arg12: memref<4x!tpu.dma_semaphore, #tpu.memory_space<semaphore_mem>>) attributes {dimension_semantics = [#tpu.dimension_semantics<core_parallel>, #tpu.dimension_semantics<subcore_parallel>], iteration_bounds = array<i64: 2, 16>, scalar_prefetch = 0 : i64, scratch_operands = 6 : i64, tpu.core_type = #tpu.core_type<sc_vector_subcore>, window_params = [{transform_indices = #map}, {transform_indices = #map1}, {transform_indices = #map1}, {transform_indices = #map}, {transform_indices = #map1}]} {
    %mul3A = arith.constant 16 : i32
    %mul3A_0 = arith.muli %arg0, %mul3A : i32
    %add3A = arith.addi %mul3A_0, %arg1 : i32
    %eq3A = arith.constant 0 : i32
    %eq3A_1 = arith.cmpi eq, %arg0, %eq3A : i32
    %convert_element_type3A = arith.extui %eq3A_1 : i1 to i32
    %cond3A = arith.constant 0 : i32
    %cond3A_2 = arith.cmpi ne, %convert_element_type3A, %cond3A : i32
    scf.if %cond3A_2 {
      %mul3A_20 = arith.constant 624 : i32
      %mul3A_21 = arith.muli %arg1, %mul3A_20 : i32
      "tpu.region"() ({
        %run_scoped3A = tpu.sem_alloc : memref<!tpu.dma_semaphore, #tpu.memory_space<semaphore_mem>>
        %dma_start3A = arith.constant 0 : i32
        %dma_start3A_27 = tpu.memref_slice %arg7[%mul3A_21, %dma_start3A] : memref<10000x128xf32, #tpu.memory_space<vmem_shared>> -> memref<624x128xf32, #tpu.memory_space<vmem_shared>>
        %dma_start3A_28 = arith.constant 0 : i32
        %dma_start3A_29 = tpu.memref_slice %arg2[%mul3A_21, %dma_start3A_28] : memref<10000x128xf32, #tpu.memory_space<hbm>> -> memref<624x128xf32, #tpu.memory_space<hbm>>
        tpu.enqueue_dma source(%dma_start3A_29 : memref<624x128xf32, #tpu.memory_space<hbm>>) target(%dma_start3A_27 : memref<624x128xf32, #tpu.memory_space<vmem_shared>>) target_semaphore(%run_scoped3A : memref<!tpu.dma_semaphore, #tpu.memory_space<semaphore_mem>>)
        %dma_wait3A = arith.constant 0 : i32
        %dma_wait3A_30 = tpu.memref_slice %arg7[%mul3A_21, %dma_wait3A] : memref<10000x128xf32, #tpu.memory_space<vmem_shared>> -> memref<624x128xf32, #tpu.memory_space<vmem_shared>>
        %dma_wait3A_31 = arith.constant 0 : i32
        %dma_wait3A_32 = tpu.memref_slice %arg2[%mul3A_21, %dma_wait3A_31] : memref<10000x128xf32, #tpu.memory_space<hbm>> -> memref<624x128xf32, #tpu.memory_space<hbm>>
        tpu.wait_dma2 semaphore(%run_scoped3A : memref<!tpu.dma_semaphore, #tpu.memory_space<semaphore_mem>>) src(%dma_wait3A_32 : memref<624x128xf32, #tpu.memory_space<hbm>>) dst(%dma_wait3A_30 : memref<624x128xf32, #tpu.memory_space<vmem_shared>>)
        tpu.yield
      }) : () -> ()
      %eq3A_22 = arith.constant 15 : i32
      %eq3A_23 = arith.cmpi eq, %arg1, %eq3A_22 : i32
      %convert_element_type3A_24 = arith.extui %eq3A_23 : i1 to i32
      %cond3A_25 = arith.constant 0 : i32
      %cond3A_26 = arith.cmpi ne, %convert_element_type3A_24, %cond3A_25 : i32
      scf.if %cond3A_26 {
        "tpu.region"() ({
          %run_scoped3A = tpu.sem_alloc : memref<!tpu.dma_semaphore, #tpu.memory_space<semaphore_mem>>
          %dma_start3A = arith.constant 9984 : i32
          %dma_start3A_27 = arith.constant 0 : i32
          %dma_start3A_28 = tpu.memref_slice %arg7[%dma_start3A, %dma_start3A_27] : memref<10000x128xf32, #tpu.memory_space<vmem_shared>> -> memref<16x128xf32, #tpu.memory_space<vmem_shared>>
          %dma_start3A_29 = arith.constant 9984 : i32
          %dma_start3A_30 = arith.constant 0 : i32
          %dma_start3A_31 = tpu.memref_slice %arg2[%dma_start3A_29, %dma_start3A_30] : memref<10000x128xf32, #tpu.memory_space<hbm>> -> memref<16x128xf32, #tpu.memory_space<hbm>>
          tpu.enqueue_dma source(%dma_start3A_31 : memref<16x128xf32, #tpu.memory_space<hbm>>) target(%dma_start3A_28 : memref<16x128xf32, #tpu.memory_space<vmem_shared>>) target_semaphore(%run_scoped3A : memref<!tpu.dma_semaphore, #tpu.memory_space<semaphore_mem>>)
          %dma_wait3A = arith.constant 9984 : i32
          %dma_wait3A_32 = arith.constant 0 : i32
          %dma_wait3A_33 = tpu.memref_slice %arg7[%dma_wait3A, %dma_wait3A_32] : memref<10000x128xf32, #tpu.memory_space<vmem_shared>> -> memref<16x128xf32, #tpu.memory_space<vmem_shared>>
          %dma_wait3A_34 = arith.constant 9984 : i32
          %dma_wait3A_35 = arith.constant 0 : i32
          %dma_wait3A_36 = tpu.memref_slice %arg2[%dma_wait3A_34, %dma_wait3A_35] : memref<10000x128xf32, #tpu.memory_space<hbm>> -> memref<16x128xf32, #tpu.memory_space<hbm>>
          tpu.wait_dma2 semaphore(%run_scoped3A : memref<!tpu.dma_semaphore, #tpu.memory_space<semaphore_mem>>) src(%dma_wait3A_36 : memref<16x128xf32, #tpu.memory_space<hbm>>) dst(%dma_wait3A_33 : memref<16x128xf32, #tpu.memory_space<vmem_shared>>)
          tpu.yield
        }) : () -> ()
      } else {
      }
    } else {
    }
    %ne3A = arith.constant 0 : i32
    %ne3A_3 = arith.cmpi ne, %arg0, %ne3A : i32
    %convert_element_type3A_4 = arith.extui %ne3A_3 : i1 to i32
    %cond3A_5 = arith.constant 0 : i32
    %cond3A_6 = arith.cmpi ne, %convert_element_type3A_4, %cond3A_5 : i32
    scf.if %cond3A_6 {
      %mul3A_20 = arith.constant 624 : i32
      %mul3A_21 = arith.muli %arg1, %mul3A_20 : i32
      "tpu.region"() ({
        %run_scoped3A = tpu.sem_alloc : memref<!tpu.dma_semaphore, #tpu.memory_space<semaphore_mem>>
        %dma_start3A = arith.constant 0 : i32
        %dma_start3A_27 = tpu.memref_slice %arg7[%mul3A_21, %dma_start3A] : memref<10000x128xf32, #tpu.memory_space<vmem_shared>> -> memref<624x128xf32, #tpu.memory_space<vmem_shared>>
        %dma_start3A_28 = arith.constant 0 : i32
        %dma_start3A_29 = tpu.memref_slice %arg5[%mul3A_21, %dma_start3A_28] : memref<10000x128xf32, #tpu.memory_space<hbm>> -> memref<624x128xf32, #tpu.memory_space<hbm>>
        tpu.enqueue_dma source(%dma_start3A_29 : memref<624x128xf32, #tpu.memory_space<hbm>>) target(%dma_start3A_27 : memref<624x128xf32, #tpu.memory_space<vmem_shared>>) target_semaphore(%run_scoped3A : memref<!tpu.dma_semaphore, #tpu.memory_space<semaphore_mem>>)
        %dma_wait3A = arith.constant 0 : i32
        %dma_wait3A_30 = tpu.memref_slice %arg7[%mul3A_21, %dma_wait3A] : memref<10000x128xf32, #tpu.memory_space<vmem_shared>> -> memref<624x128xf32, #tpu.memory_space<vmem_shared>>
        %dma_wait3A_31 = arith.constant 0 : i32
        %dma_wait3A_32 = tpu.memref_slice %arg5[%mul3A_21, %dma_wait3A_31] : memref<10000x128xf32, #tpu.memory_space<hbm>> -> memref<624x128xf32, #tpu.memory_space<hbm>>
        tpu.wait_dma2 semaphore(%run_scoped3A : memref<!tpu.dma_semaphore, #tpu.memory_space<semaphore_mem>>) src(%dma_wait3A_32 : memref<624x128xf32, #tpu.memory_space<hbm>>) dst(%dma_wait3A_30 : memref<624x128xf32, #tpu.memory_space<vmem_shared>>)
        tpu.yield
      }) : () -> ()
      %eq3A_22 = arith.constant 15 : i32
      %eq3A_23 = arith.cmpi eq, %arg1, %eq3A_22 : i32
      %convert_element_type3A_24 = arith.extui %eq3A_23 : i1 to i32
      %cond3A_25 = arith.constant 0 : i32
      %cond3A_26 = arith.cmpi ne, %convert_element_type3A_24, %cond3A_25 : i32
      scf.if %cond3A_26 {
        "tpu.region"() ({
          %run_scoped3A = tpu.sem_alloc : memref<!tpu.dma_semaphore, #tpu.memory_space<semaphore_mem>>
          %dma_start3A = arith.constant 9984 : i32
          %dma_start3A_27 = arith.constant 0 : i32
          %dma_start3A_28 = tpu.memref_slice %arg7[%dma_start3A, %dma_start3A_27] : memref<10000x128xf32, #tpu.memory_space<vmem_shared>> -> memref<16x128xf32, #tpu.memory_space<vmem_shared>>
          %dma_start3A_29 = arith.constant 9984 : i32
          %dma_start3A_30 = arith.constant 0 : i32
          %dma_start3A_31 = tpu.memref_slice %arg5[%dma_start3A_29, %dma_start3A_30] : memref<10000x128xf32, #tpu.memory_space<hbm>> -> memref<16x128xf32, #tpu.memory_space<hbm>>
          tpu.enqueue_dma source(%dma_start3A_31 : memref<16x128xf32, #tpu.memory_space<hbm>>) target(%dma_start3A_28 : memref<16x128xf32, #tpu.memory_space<vmem_shared>>) target_semaphore(%run_scoped3A : memref<!tpu.dma_semaphore, #tpu.memory_space<semaphore_mem>>)
          %dma_wait3A = arith.constant 9984 : i32
          %dma_wait3A_32 = arith.constant 0 : i32
          %dma_wait3A_33 = tpu.memref_slice %arg7[%dma_wait3A, %dma_wait3A_32] : memref<10000x128xf32, #tpu.memory_space<vmem_shared>> -> memref<16x128xf32, #tpu.memory_space<vmem_shared>>
          %dma_wait3A_34 = arith.constant 9984 : i32
          %dma_wait3A_35 = arith.constant 0 : i32
          %dma_wait3A_36 = tpu.memref_slice %arg5[%dma_wait3A_34, %dma_wait3A_35] : memref<10000x128xf32, #tpu.memory_space<hbm>> -> memref<16x128xf32, #tpu.memory_space<hbm>>
          tpu.wait_dma2 semaphore(%run_scoped3A : memref<!tpu.dma_semaphore, #tpu.memory_space<semaphore_mem>>) src(%dma_wait3A_36 : memref<16x128xf32, #tpu.memory_space<hbm>>) dst(%dma_wait3A_33 : memref<16x128xf32, #tpu.memory_space<vmem_shared>>)
          tpu.yield
        }) : () -> ()
      } else {
      }
    } else {
    }
    %barrier3A = arith.constant 0 : index
    tpu.barrier barrier_id(%barrier3A)
    %scan3A = arith.constant 0 : i32
    %scan3A_7 = arith.constant 0 : i32
    %scan3A_8 = arith.constant 5 : i32
    %scan3A_9 = arith.addi %scan3A_7, %scan3A_8 : i32
    %scan3A_10 = arith.constant 1 : i32
    scf.for %scan3A_20 = %scan3A_7 to %scan3A_9 step %scan3A_10  : i32 {
      %mul3A_21 = arith.constant 5 : i32
      %mul3A_22 = arith.muli %add3A, %mul3A_21 : i32
      %add3A_23 = arith.addi %mul3A_22, %scan3A_20 : i32
      "tpu.region"() ({
        %run_scoped3A = tpu.sem_alloc : memref<!tpu.dma_semaphore, #tpu.memory_space<semaphore_mem>>
        %dma_start3A_133 = arith.constant 0 : i32
        %dma_start3A_134 = arith.constant 0 : i32
        %dma_start3A_135 = tpu.memref_slice %arg3[%add3A_23, %dma_start3A_133, %dma_start3A_134] : memref<160x25x80xi32, #tpu.memory_space<hbm>> -> memref<1x25x80xi32, #tpu.memory_space<hbm>>
        %dma_start3A_136 = tpu.memref_squeeze %dma_start3A_135 : memref<1x25x80xi32, #tpu.memory_space<hbm>> -> memref<25x80xi32, #tpu.memory_space<hbm>>
        %dma_start3A_137 = arith.constant 0 : i32
        %dma_start3A_138 = arith.constant 0 : i32
        %dma_start3A_139 = tpu.memref_slice %arg3[%add3A_23, %dma_start3A_137, %dma_start3A_138] : memref<160x25x80xi32, #tpu.memory_space<hbm>> -> memref<1x25x80xi32, #tpu.memory_space<hbm>>
        %dma_start3A_140 = tpu.memref_squeeze %dma_start3A_139 : memref<1x25x80xi32, #tpu.memory_space<hbm>> -> memref<25x80xi32, #tpu.memory_space<hbm>>
        tpu.enqueue_dma source(%dma_start3A_140 : memref<25x80xi32, #tpu.memory_space<hbm>>) target(%arg8 : memref<25x80xi32, #tpu.memory_space<vmem>>) target_semaphore(%run_scoped3A : memref<!tpu.dma_semaphore, #tpu.memory_space<semaphore_mem>>)
        %dma_wait3A_141 = arith.constant 0 : i32
        %dma_wait3A_142 = arith.constant 0 : i32
        %dma_wait3A_143 = tpu.memref_slice %arg3[%add3A_23, %dma_wait3A_141, %dma_wait3A_142] : memref<160x25x80xi32, #tpu.memory_space<hbm>> -> memref<1x25x80xi32, #tpu.memory_space<hbm>>
        %dma_wait3A_144 = tpu.memref_squeeze %dma_wait3A_143 : memref<1x25x80xi32, #tpu.memory_space<hbm>> -> memref<25x80xi32, #tpu.memory_space<hbm>>
        %dma_wait3A_145 = arith.constant 0 : i32
        %dma_wait3A_146 = arith.constant 0 : i32
        %dma_wait3A_147 = tpu.memref_slice %arg3[%add3A_23, %dma_wait3A_145, %dma_wait3A_146] : memref<160x25x80xi32, #tpu.memory_space<hbm>> -> memref<1x25x80xi32, #tpu.memory_space<hbm>>
        %dma_wait3A_148 = tpu.memref_squeeze %dma_wait3A_147 : memref<1x25x80xi32, #tpu.memory_space<hbm>> -> memref<25x80xi32, #tpu.memory_space<hbm>>
        tpu.wait_dma2 semaphore(%run_scoped3A : memref<!tpu.dma_semaphore, #tpu.memory_space<semaphore_mem>>) src(%dma_wait3A_148 : memref<25x80xi32, #tpu.memory_space<hbm>>) dst(%arg8 : memref<25x80xi32, #tpu.memory_space<vmem>>)
        tpu.yield
      }) : () -> ()
      %mul3A_24 = arith.constant 5 : i32
      %mul3A_25 = arith.muli %add3A, %mul3A_24 : i32
      %add3A_26 = arith.addi %mul3A_25, %scan3A_20 : i32
      "tpu.region"() ({
        %run_scoped3A = tpu.sem_alloc : memref<!tpu.dma_semaphore, #tpu.memory_space<semaphore_mem>>
        %dma_start3A_133 = arith.constant 0 : i32
        %dma_start3A_134 = arith.constant 0 : i32
        %dma_start3A_135 = tpu.memref_slice %arg4[%add3A_26, %dma_start3A_133, %dma_start3A_134] : memref<160x25x80xi32, #tpu.memory_space<hbm>> -> memref<1x25x80xi32, #tpu.memory_space<hbm>>
        %dma_start3A_136 = tpu.memref_squeeze %dma_start3A_135 : memref<1x25x80xi32, #tpu.memory_space<hbm>> -> memref<25x80xi32, #tpu.memory_space<hbm>>
        %dma_start3A_137 = arith.constant 0 : i32
        %dma_start3A_138 = arith.constant 0 : i32
        %dma_start3A_139 = tpu.memref_slice %arg4[%add3A_26, %dma_start3A_137, %dma_start3A_138] : memref<160x25x80xi32, #tpu.memory_space<hbm>> -> memref<1x25x80xi32, #tpu.memory_space<hbm>>
        %dma_start3A_140 = tpu.memref_squeeze %dma_start3A_139 : memref<1x25x80xi32, #tpu.memory_space<hbm>> -> memref<25x80xi32, #tpu.memory_space<hbm>>
        tpu.enqueue_dma source(%dma_start3A_140 : memref<25x80xi32, #tpu.memory_space<hbm>>) target(%arg9 : memref<25x80xi32, #tpu.memory_space<vmem>>) target_semaphore(%run_scoped3A : memref<!tpu.dma_semaphore, #tpu.memory_space<semaphore_mem>>)
        %dma_wait3A_141 = arith.constant 0 : i32
        %dma_wait3A_142 = arith.constant 0 : i32
        %dma_wait3A_143 = tpu.memref_slice %arg4[%add3A_26, %dma_wait3A_141, %dma_wait3A_142] : memref<160x25x80xi32, #tpu.memory_space<hbm>> -> memref<1x25x80xi32, #tpu.memory_space<hbm>>
        %dma_wait3A_144 = tpu.memref_squeeze %dma_wait3A_143 : memref<1x25x80xi32, #tpu.memory_space<hbm>> -> memref<25x80xi32, #tpu.memory_space<hbm>>
        %dma_wait3A_145 = arith.constant 0 : i32
        %dma_wait3A_146 = arith.constant 0 : i32
        %dma_wait3A_147 = tpu.memref_slice %arg4[%add3A_26, %dma_wait3A_145, %dma_wait3A_146] : memref<160x25x80xi32, #tpu.memory_space<hbm>> -> memref<1x25x80xi32, #tpu.memory_space<hbm>>
        %dma_wait3A_148 = tpu.memref_squeeze %dma_wait3A_147 : memref<1x25x80xi32, #tpu.memory_space<hbm>> -> memref<25x80xi32, #tpu.memory_space<hbm>>
        tpu.wait_dma2 semaphore(%run_scoped3A : memref<!tpu.dma_semaphore, #tpu.memory_space<semaphore_mem>>) src(%dma_wait3A_148 : memref<25x80xi32, #tpu.memory_space<hbm>>) dst(%arg9 : memref<25x80xi32, #tpu.memory_space<vmem>>)
        tpu.yield
      }) : () -> ()
      %dma_start3A = arith.constant 0 : i32
      %dma_start3A_27 = arith.constant 0 : i32
      %dma_start3A_28 = arith.constant 0 : i32
      %dma_start3A_29 = arith.constant 0 : i32
      %dma_start3A_30 = arith.constant 0 : i32
      %dma_start3A_31 = tpu.memref_slice %arg10[%dma_start3A_27, %dma_start3A_29, %dma_start3A_30] : memref<4x80x128xf32, #tpu.memory_space<vmem>> -> memref<1x80x128xf32, #tpu.memory_space<vmem>>
      %dma_start3A_32 = tpu.memref_squeeze %dma_start3A_31 : memref<1x80x128xf32, #tpu.memory_space<vmem>> -> memref<80x128xf32, #tpu.memory_space<vmem>>
      %dma_start3A_33 = arith.constant 0 : i32
      %dma_start3A_34 = tpu.memref_slice %arg8[%dma_start3A, %dma_start3A_33] : memref<25x80xi32, #tpu.memory_space<vmem>> -> memref<1x80xi32, #tpu.memory_space<vmem>>
      %dma_start3A_35 = tpu.memref_squeeze %dma_start3A_34 : memref<1x80xi32, #tpu.memory_space<vmem>> -> memref<80xi32, #tpu.memory_space<vmem>>
      %dma_start3A_36 = arith.constant 0 : i32
      %dma_start3A_37 = arith.constant 0 : i32
      %dma_start3A_38 = tpu.memref_slice %arg2[%dma_start3A_36, %dma_start3A_37] : memref<10000x128xf32, #tpu.memory_space<hbm>> -> memref<10000x128xf32, #tpu.memory_space<hbm>>
      %dma_start3A_39 = tpu.memref_slice %arg11[%dma_start3A_28] : memref<4x!tpu.dma_semaphore, #tpu.memory_space<semaphore_mem>> -> memref<1x!tpu.dma_semaphore, #tpu.memory_space<semaphore_mem>>
      %dma_start3A_40 = tpu.memref_squeeze %dma_start3A_39 : memref<1x!tpu.dma_semaphore, #tpu.memory_space<semaphore_mem>> -> memref<!tpu.dma_semaphore, #tpu.memory_space<semaphore_mem>>
      tpu.enqueue_indirect_dma source(%dma_start3A_38 : memref<10000x128xf32, #tpu.memory_space<hbm>>) target(%dma_start3A_32 : memref<80x128xf32, #tpu.memory_space<vmem>>) offsets(%dma_start3A_35 : memref<80xi32, #tpu.memory_space<vmem>>) semaphore(%dma_start3A_40 : memref<!tpu.dma_semaphore, #tpu.memory_space<semaphore_mem>>)
      %dma_start3A_41 = arith.constant 1 : i32
      %dma_start3A_42 = arith.constant 1 : i32
      %dma_start3A_43 = arith.constant 1 : i32
      %dma_start3A_44 = arith.constant 0 : i32
      %dma_start3A_45 = arith.constant 0 : i32
      %dma_start3A_46 = tpu.memref_slice %arg10[%dma_start3A_42, %dma_start3A_44, %dma_start3A_45] : memref<4x80x128xf32, #tpu.memory_space<vmem>> -> memref<1x80x128xf32, #tpu.memory_space<vmem>>
      %dma_start3A_47 = tpu.memref_squeeze %dma_start3A_46 : memref<1x80x128xf32, #tpu.memory_space<vmem>> -> memref<80x128xf32, #tpu.memory_space<vmem>>
      %dma_start3A_48 = arith.constant 0 : i32
      %dma_start3A_49 = tpu.memref_slice %arg8[%dma_start3A_41, %dma_start3A_48] : memref<25x80xi32, #tpu.memory_space<vmem>> -> memref<1x80xi32, #tpu.memory_space<vmem>>
      %dma_start3A_50 = tpu.memref_squeeze %dma_start3A_49 : memref<1x80xi32, #tpu.memory_space<vmem>> -> memref<80xi32, #tpu.memory_space<vmem>>
      %dma_start3A_51 = arith.constant 0 : i32
      %dma_start3A_52 = arith.constant 0 : i32
      %dma_start3A_53 = tpu.memref_slice %arg2[%dma_start3A_51, %dma_start3A_52] : memref<10000x128xf32, #tpu.memory_space<hbm>> -> memref<10000x128xf32, #tpu.memory_space<hbm>>
      %dma_start3A_54 = tpu.memref_slice %arg11[%dma_start3A_43] : memref<4x!tpu.dma_semaphore, #tpu.memory_space<semaphore_mem>> -> memref<1x!tpu.dma_semaphore, #tpu.memory_space<semaphore_mem>>
      %dma_start3A_55 = tpu.memref_squeeze %dma_start3A_54 : memref<1x!tpu.dma_semaphore, #tpu.memory_space<semaphore_mem>> -> memref<!tpu.dma_semaphore, #tpu.memory_space<semaphore_mem>>
      tpu.enqueue_indirect_dma source(%dma_start3A_53 : memref<10000x128xf32, #tpu.memory_space<hbm>>) target(%dma_start3A_47 : memref<80x128xf32, #tpu.memory_space<vmem>>) offsets(%dma_start3A_50 : memref<80xi32, #tpu.memory_space<vmem>>) semaphore(%dma_start3A_55 : memref<!tpu.dma_semaphore, #tpu.memory_space<semaphore_mem>>)
      %dma_start3A_56 = arith.constant 2 : i32
      %dma_start3A_57 = arith.constant 2 : i32
      %dma_start3A_58 = arith.constant 2 : i32
      %dma_start3A_59 = arith.constant 0 : i32
      %dma_start3A_60 = arith.constant 0 : i32
      %dma_start3A_61 = tpu.memref_slice %arg10[%dma_start3A_57, %dma_start3A_59, %dma_start3A_60] : memref<4x80x128xf32, #tpu.memory_space<vmem>> -> memref<1x80x128xf32, #tpu.memory_space<vmem>>
      %dma_start3A_62 = tpu.memref_squeeze %dma_start3A_61 : memref<1x80x128xf32, #tpu.memory_space<vmem>> -> memref<80x128xf32, #tpu.memory_space<vmem>>
      %dma_start3A_63 = arith.constant 0 : i32
      %dma_start3A_64 = tpu.memref_slice %arg8[%dma_start3A_56, %dma_start3A_63] : memref<25x80xi32, #tpu.memory_space<vmem>> -> memref<1x80xi32, #tpu.memory_space<vmem>>
      %dma_start3A_65 = tpu.memref_squeeze %dma_start3A_64 : memref<1x80xi32, #tpu.memory_space<vmem>> -> memref<80xi32, #tpu.memory_space<vmem>>
      %dma_start3A_66 = arith.constant 0 : i32
      %dma_start3A_67 = arith.constant 0 : i32
      %dma_start3A_68 = tpu.memref_slice %arg2[%dma_start3A_66, %dma_start3A_67] : memref<10000x128xf32, #tpu.memory_space<hbm>> -> memref<10000x128xf32, #tpu.memory_space<hbm>>
      %dma_start3A_69 = tpu.memref_slice %arg11[%dma_start3A_58] : memref<4x!tpu.dma_semaphore, #tpu.memory_space<semaphore_mem>> -> memref<1x!tpu.dma_semaphore, #tpu.memory_space<semaphore_mem>>
      %dma_start3A_70 = tpu.memref_squeeze %dma_start3A_69 : memref<1x!tpu.dma_semaphore, #tpu.memory_space<semaphore_mem>> -> memref<!tpu.dma_semaphore, #tpu.memory_space<semaphore_mem>>
      tpu.enqueue_indirect_dma source(%dma_start3A_68 : memref<10000x128xf32, #tpu.memory_space<hbm>>) target(%dma_start3A_62 : memref<80x128xf32, #tpu.memory_space<vmem>>) offsets(%dma_start3A_65 : memref<80xi32, #tpu.memory_space<vmem>>) semaphore(%dma_start3A_70 : memref<!tpu.dma_semaphore, #tpu.memory_space<semaphore_mem>>)
      %dma_start3A_71 = arith.constant 3 : i32
      %dma_start3A_72 = arith.constant 3 : i32
      %dma_start3A_73 = arith.constant 3 : i32
      %dma_start3A_74 = arith.constant 0 : i32
      %dma_start3A_75 = arith.constant 0 : i32
      %dma_start3A_76 = tpu.memref_slice %arg10[%dma_start3A_72, %dma_start3A_74, %dma_start3A_75] : memref<4x80x128xf32, #tpu.memory_space<vmem>> -> memref<1x80x128xf32, #tpu.memory_space<vmem>>
      %dma_start3A_77 = tpu.memref_squeeze %dma_start3A_76 : memref<1x80x128xf32, #tpu.memory_space<vmem>> -> memref<80x128xf32, #tpu.memory_space<vmem>>
      %dma_start3A_78 = arith.constant 0 : i32
      %dma_start3A_79 = tpu.memref_slice %arg8[%dma_start3A_71, %dma_start3A_78] : memref<25x80xi32, #tpu.memory_space<vmem>> -> memref<1x80xi32, #tpu.memory_space<vmem>>
      %dma_start3A_80 = tpu.memref_squeeze %dma_start3A_79 : memref<1x80xi32, #tpu.memory_space<vmem>> -> memref<80xi32, #tpu.memory_space<vmem>>
      %dma_start3A_81 = arith.constant 0 : i32
      %dma_start3A_82 = arith.constant 0 : i32
      %dma_start3A_83 = tpu.memref_slice %arg2[%dma_start3A_81, %dma_start3A_82] : memref<10000x128xf32, #tpu.memory_space<hbm>> -> memref<10000x128xf32, #tpu.memory_space<hbm>>
      %dma_start3A_84 = tpu.memref_slice %arg11[%dma_start3A_73] : memref<4x!tpu.dma_semaphore, #tpu.memory_space<semaphore_mem>> -> memref<1x!tpu.dma_semaphore, #tpu.memory_space<semaphore_mem>>
      %dma_start3A_85 = tpu.memref_squeeze %dma_start3A_84 : memref<1x!tpu.dma_semaphore, #tpu.memory_space<semaphore_mem>> -> memref<!tpu.dma_semaphore, #tpu.memory_space<semaphore_mem>>
      tpu.enqueue_indirect_dma source(%dma_start3A_83 : memref<10000x128xf32, #tpu.memory_space<hbm>>) target(%dma_start3A_77 : memref<80x128xf32, #tpu.memory_space<vmem>>) offsets(%dma_start3A_80 : memref<80xi32, #tpu.memory_space<vmem>>) semaphore(%dma_start3A_85 : memref<!tpu.dma_semaphore, #tpu.memory_space<semaphore_mem>>)
      %dma_wait3A = arith.constant 0 : i32
      %dma_wait3A_86 = arith.constant 0 : i32
      %dma_wait3A_87 = arith.constant 0 : i32
      %dma_wait3A_88 = arith.constant 0 : i32
      %dma_wait3A_89 = arith.constant 0 : i32
      %dma_wait3A_90 = tpu.memref_slice %arg10[%dma_wait3A_86, %dma_wait3A_88, %dma_wait3A_89] : memref<4x80x128xf32, #tpu.memory_space<vmem>> -> memref<1x80x128xf32, #tpu.memory_space<vmem>>
      %dma_wait3A_91 = tpu.memref_squeeze %dma_wait3A_90 : memref<1x80x128xf32, #tpu.memory_space<vmem>> -> memref<80x128xf32, #tpu.memory_space<vmem>>
      %dma_wait3A_92 = arith.constant 0 : i32
      %dma_wait3A_93 = tpu.memref_slice %arg8[%dma_wait3A, %dma_wait3A_92] : memref<25x80xi32, #tpu.memory_space<vmem>> -> memref<1x80xi32, #tpu.memory_space<vmem>>
      %dma_wait3A_94 = tpu.memref_squeeze %dma_wait3A_93 : memref<1x80xi32, #tpu.memory_space<vmem>> -> memref<80xi32, #tpu.memory_space<vmem>>
      %dma_wait3A_95 = arith.constant 0 : i32
      %dma_wait3A_96 = arith.constant 0 : i32
      %dma_wait3A_97 = tpu.memref_slice %arg2[%dma_wait3A_95, %dma_wait3A_96] : memref<10000x128xf32, #tpu.memory_space<hbm>> -> memref<10000x128xf32, #tpu.memory_space<hbm>>
      %dma_wait3A_98 = tpu.memref_slice %arg11[%dma_wait3A_87] : memref<4x!tpu.dma_semaphore, #tpu.memory_space<semaphore_mem>> -> memref<1x!tpu.dma_semaphore, #tpu.memory_space<semaphore_mem>>
      %dma_wait3A_99 = tpu.memref_squeeze %dma_wait3A_98 : memref<1x!tpu.dma_semaphore, #tpu.memory_space<semaphore_mem>> -> memref<!tpu.dma_semaphore, #tpu.memory_space<semaphore_mem>>
      tpu.wait_indirect_dma semaphore(%dma_wait3A_99 : memref<!tpu.dma_semaphore, #tpu.memory_space<semaphore_mem>>) src(%dma_wait3A_97 : memref<10000x128xf32, #tpu.memory_space<hbm>>) dst(%dma_wait3A_91 : memref<80x128xf32, #tpu.memory_space<vmem>>)
      %dma_start3A_100 = arith.constant 0 : i32
      %dma_start3A_101 = arith.constant 0 : i32
      %dma_start3A_102 = arith.constant 0 : i32
      %dma_start3A_103 = arith.constant 0 : i32
      %dma_start3A_104 = arith.constant 0 : i32
      %dma_start3A_105 = tpu.memref_slice %arg10[%dma_start3A_100, %dma_start3A_103, %dma_start3A_104] : memref<4x80x128xf32, #tpu.memory_space<vmem>> -> memref<1x80x128xf32, #tpu.memory_space<vmem>>
      %dma_start3A_106 = tpu.memref_squeeze %dma_start3A_105 : memref<1x80x128xf32, #tpu.memory_space<vmem>> -> memref<80x128xf32, #tpu.memory_space<vmem>>
      %dma_start3A_107 = arith.constant 0 : i32
      %dma_start3A_108 = tpu.memref_slice %arg9[%dma_start3A_101, %dma_start3A_107] : memref<25x80xi32, #tpu.memory_space<vmem>> -> memref<1x80xi32, #tpu.memory_space<vmem>>
      %dma_start3A_109 = tpu.memref_squeeze %dma_start3A_108 : memref<1x80xi32, #tpu.memory_space<vmem>> -> memref<80xi32, #tpu.memory_space<vmem>>
      %dma_start3A_110 = arith.constant 0 : i32
      %dma_start3A_111 = arith.constant 0 : i32
      %dma_start3A_112 = tpu.memref_slice %arg7[%dma_start3A_110, %dma_start3A_111] : memref<10000x128xf32, #tpu.memory_space<vmem_shared>> -> memref<10000x128xf32, #tpu.memory_space<vmem_shared>>
      %dma_start3A_113 = tpu.memref_slice %arg12[%dma_start3A_102] : memref<4x!tpu.dma_semaphore, #tpu.memory_space<semaphore_mem>> -> memref<1x!tpu.dma_semaphore, #tpu.memory_space<semaphore_mem>>
      %dma_start3A_114 = tpu.memref_squeeze %dma_start3A_113 : memref<1x!tpu.dma_semaphore, #tpu.memory_space<semaphore_mem>> -> memref<!tpu.dma_semaphore, #tpu.memory_space<semaphore_mem>>
      tpu.enqueue_indirect_dma source(%dma_start3A_106 : memref<80x128xf32, #tpu.memory_space<vmem>>) target(%dma_start3A_112 : memref<10000x128xf32, #tpu.memory_space<vmem_shared>>) offsets(%dma_start3A_109 : memref<80xi32, #tpu.memory_space<vmem>>) semaphore(%dma_start3A_114 : memref<!tpu.dma_semaphore, #tpu.memory_space<semaphore_mem>>) {add = true}
      %scan3A_115 = arith.constant 0 : i32
      %scan3A_116 = arith.constant 1 : i32
      %scan3A_117 = arith.constant 21 : i32
      %scan3A_118 = arith.addi %scan3A_116, %scan3A_117 : i32
      %scan3A_119 = arith.constant 1 : i32
      scf.for %scan3A_133 = %scan3A_116 to %scan3A_118 step %scan3A_119  : i32 {
        %sub3A = arith.constant 1 : i32
        %sub3A_134 = arith.subi %scan3A_133, %sub3A : i32
        %rem3A = arith.constant 4 : i32
        %rem3A_135 = arith.remsi %sub3A_134, %rem3A : i32
        %sub3A_136 = arith.constant 1 : i32
        %sub3A_137 = arith.subi %scan3A_133, %sub3A_136 : i32
        %dma_wait3A_138 = arith.constant 0 : i32
        %dma_wait3A_139 = arith.constant 0 : i32
        %dma_wait3A_140 = tpu.memref_slice %arg10[%rem3A_135, %dma_wait3A_138, %dma_wait3A_139] : memref<4x80x128xf32, #tpu.memory_space<vmem>> -> memref<1x80x128xf32, #tpu.memory_space<vmem>>
        %dma_wait3A_141 = tpu.memref_squeeze %dma_wait3A_140 : memref<1x80x128xf32, #tpu.memory_space<vmem>> -> memref<80x128xf32, #tpu.memory_space<vmem>>
        %dma_wait3A_142 = arith.constant 0 : i32
        %dma_wait3A_143 = tpu.memref_slice %arg9[%sub3A_137, %dma_wait3A_142] : memref<25x80xi32, #tpu.memory_space<vmem>> -> memref<1x80xi32, #tpu.memory_space<vmem>>
        %dma_wait3A_144 = tpu.memref_squeeze %dma_wait3A_143 : memref<1x80xi32, #tpu.memory_space<vmem>> -> memref<80xi32, #tpu.memory_space<vmem>>
        %dma_wait3A_145 = arith.constant 0 : i32
        %dma_wait3A_146 = arith.constant 0 : i32
        %dma_wait3A_147 = tpu.memref_slice %arg7[%dma_wait3A_145, %dma_wait3A_146] : memref<10000x128xf32, #tpu.memory_space<vmem_shared>> -> memref<10000x128xf32, #tpu.memory_space<vmem_shared>>
        %dma_wait3A_148 = tpu.memref_slice %arg12[%rem3A_135] : memref<4x!tpu.dma_semaphore, #tpu.memory_space<semaphore_mem>> -> memref<1x!tpu.dma_semaphore, #tpu.memory_space<semaphore_mem>>
        %dma_wait3A_149 = tpu.memref_squeeze %dma_wait3A_148 : memref<1x!tpu.dma_semaphore, #tpu.memory_space<semaphore_mem>> -> memref<!tpu.dma_semaphore, #tpu.memory_space<semaphore_mem>>
        tpu.wait_indirect_dma semaphore(%dma_wait3A_149 : memref<!tpu.dma_semaphore, #tpu.memory_space<semaphore_mem>>) src(%dma_wait3A_141 : memref<80x128xf32, #tpu.memory_space<vmem>>) dst(%dma_wait3A_147 : memref<10000x128xf32, #tpu.memory_space<vmem_shared>>)
        %sub3A_150 = arith.constant 1 : i32
        %sub3A_151 = arith.subi %scan3A_133, %sub3A_150 : i32
        %add3A_152 = arith.constant 4 : i32
        %add3A_153 = arith.addi %sub3A_151, %add3A_152 : i32
        %dma_start3A_154 = arith.constant 0 : i32
        %dma_start3A_155 = arith.constant 0 : i32
        %dma_start3A_156 = tpu.memref_slice %arg10[%rem3A_135, %dma_start3A_154, %dma_start3A_155] : memref<4x80x128xf32, #tpu.memory_space<vmem>> -> memref<1x80x128xf32, #tpu.memory_space<vmem>>
        %dma_start3A_157 = tpu.memref_squeeze %dma_start3A_156 : memref<1x80x128xf32, #tpu.memory_space<vmem>> -> memref<80x128xf32, #tpu.memory_space<vmem>>
        %dma_start3A_158 = arith.constant 0 : i32
        %dma_start3A_159 = tpu.memref_slice %arg8[%add3A_153, %dma_start3A_158] : memref<25x80xi32, #tpu.memory_space<vmem>> -> memref<1x80xi32, #tpu.memory_space<vmem>>
        %dma_start3A_160 = tpu.memref_squeeze %dma_start3A_159 : memref<1x80xi32, #tpu.memory_space<vmem>> -> memref<80xi32, #tpu.memory_space<vmem>>
        %dma_start3A_161 = arith.constant 0 : i32
        %dma_start3A_162 = arith.constant 0 : i32
        %dma_start3A_163 = tpu.memref_slice %arg2[%dma_start3A_161, %dma_start3A_162] : memref<10000x128xf32, #tpu.memory_space<hbm>> -> memref<10000x128xf32, #tpu.memory_space<hbm>>
        %dma_start3A_164 = tpu.memref_slice %arg11[%rem3A_135] : memref<4x!tpu.dma_semaphore, #tpu.memory_space<semaphore_mem>> -> memref<1x!tpu.dma_semaphore, #tpu.memory_space<semaphore_mem>>
        %dma_start3A_165 = tpu.memref_squeeze %dma_start3A_164 : memref<1x!tpu.dma_semaphore, #tpu.memory_space<semaphore_mem>> -> memref<!tpu.dma_semaphore, #tpu.memory_space<semaphore_mem>>
        tpu.enqueue_indirect_dma source(%dma_start3A_163 : memref<10000x128xf32, #tpu.memory_space<hbm>>) target(%dma_start3A_157 : memref<80x128xf32, #tpu.memory_space<vmem>>) offsets(%dma_start3A_160 : memref<80xi32, #tpu.memory_space<vmem>>) semaphore(%dma_start3A_165 : memref<!tpu.dma_semaphore, #tpu.memory_space<semaphore_mem>>)
        %rem3A_166 = arith.constant 4 : i32
        %rem3A_167 = arith.remsi %scan3A_133, %rem3A_166 : i32
        %dma_wait3A_168 = arith.constant 0 : i32
        %dma_wait3A_169 = arith.constant 0 : i32
        %dma_wait3A_170 = tpu.memref_slice %arg10[%rem3A_167, %dma_wait3A_168, %dma_wait3A_169] : memref<4x80x128xf32, #tpu.memory_space<vmem>> -> memref<1x80x128xf32, #tpu.memory_space<vmem>>
        %dma_wait3A_171 = tpu.memref_squeeze %dma_wait3A_170 : memref<1x80x128xf32, #tpu.memory_space<vmem>> -> memref<80x128xf32, #tpu.memory_space<vmem>>
        %dma_wait3A_172 = arith.constant 0 : i32
        %dma_wait3A_173 = tpu.memref_slice %arg8[%scan3A_133, %dma_wait3A_172] : memref<25x80xi32, #tpu.memory_space<vmem>> -> memref<1x80xi32, #tpu.memory_space<vmem>>
        %dma_wait3A_174 = tpu.memref_squeeze %dma_wait3A_173 : memref<1x80xi32, #tpu.memory_space<vmem>> -> memref<80xi32, #tpu.memory_space<vmem>>
        %dma_wait3A_175 = arith.constant 0 : i32
        %dma_wait3A_176 = arith.constant 0 : i32
        %dma_wait3A_177 = tpu.memref_slice %arg2[%dma_wait3A_175, %dma_wait3A_176] : memref<10000x128xf32, #tpu.memory_space<hbm>> -> memref<10000x128xf32, #tpu.memory_space<hbm>>
        %dma_wait3A_178 = tpu.memref_slice %arg11[%rem3A_167] : memref<4x!tpu.dma_semaphore, #tpu.memory_space<semaphore_mem>> -> memref<1x!tpu.dma_semaphore, #tpu.memory_space<semaphore_mem>>
        %dma_wait3A_179 = tpu.memref_squeeze %dma_wait3A_178 : memref<1x!tpu.dma_semaphore, #tpu.memory_space<semaphore_mem>> -> memref<!tpu.dma_semaphore, #tpu.memory_space<semaphore_mem>>
        tpu.wait_indirect_dma semaphore(%dma_wait3A_179 : memref<!tpu.dma_semaphore, #tpu.memory_space<semaphore_mem>>) src(%dma_wait3A_177 : memref<10000x128xf32, #tpu.memory_space<hbm>>) dst(%dma_wait3A_171 : memref<80x128xf32, #tpu.memory_space<vmem>>)
        %dma_start3A_180 = arith.constant 0 : i32
        %dma_start3A_181 = arith.constant 0 : i32
        %dma_start3A_182 = tpu.memref_slice %arg10[%rem3A_167, %dma_start3A_180, %dma_start3A_181] : memref<4x80x128xf32, #tpu.memory_space<vmem>> -> memref<1x80x128xf32, #tpu.memory_space<vmem>>
        %dma_start3A_183 = tpu.memref_squeeze %dma_start3A_182 : memref<1x80x128xf32, #tpu.memory_space<vmem>> -> memref<80x128xf32, #tpu.memory_space<vmem>>
        %dma_start3A_184 = arith.constant 0 : i32
        %dma_start3A_185 = tpu.memref_slice %arg9[%scan3A_133, %dma_start3A_184] : memref<25x80xi32, #tpu.memory_space<vmem>> -> memref<1x80xi32, #tpu.memory_space<vmem>>
        %dma_start3A_186 = tpu.memref_squeeze %dma_start3A_185 : memref<1x80xi32, #tpu.memory_space<vmem>> -> memref<80xi32, #tpu.memory_space<vmem>>
        %dma_start3A_187 = arith.constant 0 : i32
        %dma_start3A_188 = arith.constant 0 : i32
        %dma_start3A_189 = tpu.memref_slice %arg7[%dma_start3A_187, %dma_start3A_188] : memref<10000x128xf32, #tpu.memory_space<vmem_shared>> -> memref<10000x128xf32, #tpu.memory_space<vmem_shared>>
        %dma_start3A_190 = tpu.memref_slice %arg12[%rem3A_167] : memref<4x!tpu.dma_semaphore, #tpu.memory_space<semaphore_mem>> -> memref<1x!tpu.dma_semaphore, #tpu.memory_space<semaphore_mem>>
        %dma_start3A_191 = tpu.memref_squeeze %dma_start3A_190 : memref<1x!tpu.dma_semaphore, #tpu.memory_space<semaphore_mem>> -> memref<!tpu.dma_semaphore, #tpu.memory_space<semaphore_mem>>
        tpu.enqueue_indirect_dma source(%dma_start3A_183 : memref<80x128xf32, #tpu.memory_space<vmem>>) target(%dma_start3A_189 : memref<10000x128xf32, #tpu.memory_space<vmem_shared>>) offsets(%dma_start3A_186 : memref<80xi32, #tpu.memory_space<vmem>>) semaphore(%dma_start3A_191 : memref<!tpu.dma_semaphore, #tpu.memory_space<semaphore_mem>>) {add = true}
      }
      %scan3A_120 = arith.constant 21 : i32
      %scan3A_121 = arith.constant 0 : i32
      %scan3A_122 = arith.constant 22 : i32
      %scan3A_123 = arith.constant 3 : i32
      %scan3A_124 = arith.addi %scan3A_122, %scan3A_123 : i32
      %scan3A_125 = arith.constant 1 : i32
      scf.for %scan3A_133 = %scan3A_122 to %scan3A_124 step %scan3A_125  : i32 {
        %rem3A = arith.constant 4 : i32
        %rem3A_134 = arith.remsi %scan3A_133, %rem3A : i32
        %dma_wait3A_135 = arith.constant 0 : i32
        %dma_wait3A_136 = arith.constant 0 : i32
        %dma_wait3A_137 = tpu.memref_slice %arg10[%rem3A_134, %dma_wait3A_135, %dma_wait3A_136] : memref<4x80x128xf32, #tpu.memory_space<vmem>> -> memref<1x80x128xf32, #tpu.memory_space<vmem>>
        %dma_wait3A_138 = tpu.memref_squeeze %dma_wait3A_137 : memref<1x80x128xf32, #tpu.memory_space<vmem>> -> memref<80x128xf32, #tpu.memory_space<vmem>>
        %dma_wait3A_139 = arith.constant 0 : i32
        %dma_wait3A_140 = tpu.memref_slice %arg8[%scan3A_133, %dma_wait3A_139] : memref<25x80xi32, #tpu.memory_space<vmem>> -> memref<1x80xi32, #tpu.memory_space<vmem>>
        %dma_wait3A_141 = tpu.memref_squeeze %dma_wait3A_140 : memref<1x80xi32, #tpu.memory_space<vmem>> -> memref<80xi32, #tpu.memory_space<vmem>>
        %dma_wait3A_142 = arith.constant 0 : i32
        %dma_wait3A_143 = arith.constant 0 : i32
        %dma_wait3A_144 = tpu.memref_slice %arg2[%dma_wait3A_142, %dma_wait3A_143] : memref<10000x128xf32, #tpu.memory_space<hbm>> -> memref<10000x128xf32, #tpu.memory_space<hbm>>
        %dma_wait3A_145 = tpu.memref_slice %arg11[%rem3A_134] : memref<4x!tpu.dma_semaphore, #tpu.memory_space<semaphore_mem>> -> memref<1x!tpu.dma_semaphore, #tpu.memory_space<semaphore_mem>>
        %dma_wait3A_146 = tpu.memref_squeeze %dma_wait3A_145 : memref<1x!tpu.dma_semaphore, #tpu.memory_space<semaphore_mem>> -> memref<!tpu.dma_semaphore, #tpu.memory_space<semaphore_mem>>
        tpu.wait_indirect_dma semaphore(%dma_wait3A_146 : memref<!tpu.dma_semaphore, #tpu.memory_space<semaphore_mem>>) src(%dma_wait3A_144 : memref<10000x128xf32, #tpu.memory_space<hbm>>) dst(%dma_wait3A_138 : memref<80x128xf32, #tpu.memory_space<vmem>>)
        %dma_start3A_147 = arith.constant 0 : i32
        %dma_start3A_148 = arith.constant 0 : i32
        %dma_start3A_149 = tpu.memref_slice %arg10[%rem3A_134, %dma_start3A_147, %dma_start3A_148] : memref<4x80x128xf32, #tpu.memory_space<vmem>> -> memref<1x80x128xf32, #tpu.memory_space<vmem>>
        %dma_start3A_150 = tpu.memref_squeeze %dma_start3A_149 : memref<1x80x128xf32, #tpu.memory_space<vmem>> -> memref<80x128xf32, #tpu.memory_space<vmem>>
        %dma_start3A_151 = arith.constant 0 : i32
        %dma_start3A_152 = tpu.memref_slice %arg9[%scan3A_133, %dma_start3A_151] : memref<25x80xi32, #tpu.memory_space<vmem>> -> memref<1x80xi32, #tpu.memory_space<vmem>>
        %dma_start3A_153 = tpu.memref_squeeze %dma_start3A_152 : memref<1x80xi32, #tpu.memory_space<vmem>> -> memref<80xi32, #tpu.memory_space<vmem>>
        %dma_start3A_154 = arith.constant 0 : i32
        %dma_start3A_155 = arith.constant 0 : i32
        %dma_start3A_156 = tpu.memref_slice %arg7[%dma_start3A_154, %dma_start3A_155] : memref<10000x128xf32, #tpu.memory_space<vmem_shared>> -> memref<10000x128xf32, #tpu.memory_space<vmem_shared>>
        %dma_start3A_157 = tpu.memref_slice %arg12[%rem3A_134] : memref<4x!tpu.dma_semaphore, #tpu.memory_space<semaphore_mem>> -> memref<1x!tpu.dma_semaphore, #tpu.memory_space<semaphore_mem>>
        %dma_start3A_158 = tpu.memref_squeeze %dma_start3A_157 : memref<1x!tpu.dma_semaphore, #tpu.memory_space<semaphore_mem>> -> memref<!tpu.dma_semaphore, #tpu.memory_space<semaphore_mem>>
        tpu.enqueue_indirect_dma source(%dma_start3A_150 : memref<80x128xf32, #tpu.memory_space<vmem>>) target(%dma_start3A_156 : memref<10000x128xf32, #tpu.memory_space<vmem_shared>>) offsets(%dma_start3A_153 : memref<80xi32, #tpu.memory_space<vmem>>) semaphore(%dma_start3A_158 : memref<!tpu.dma_semaphore, #tpu.memory_space<semaphore_mem>>) {add = true}
      }
      %scan3A_126 = arith.constant 3 : i32
      %scan3A_127 = arith.constant 0 : i32
      %scan3A_128 = arith.constant 0 : i32
      %scan3A_129 = arith.constant 4 : i32
      %scan3A_130 = arith.addi %scan3A_128, %scan3A_129 : i32
      %scan3A_131 = arith.constant 1 : i32
      scf.for %scan3A_133 = %scan3A_128 to %scan3A_130 step %scan3A_131  : i32 {
        %add3A_134 = arith.constant 21 : i32
        %add3A_135 = arith.addi %add3A_134, %scan3A_133 : i32
        %rem3A = arith.constant 4 : i32
        %rem3A_136 = arith.remsi %add3A_135, %rem3A : i32
        %dma_wait3A_137 = arith.constant 0 : i32
        %dma_wait3A_138 = arith.constant 0 : i32
        %dma_wait3A_139 = tpu.memref_slice %arg10[%rem3A_136, %dma_wait3A_137, %dma_wait3A_138] : memref<4x80x128xf32, #tpu.memory_space<vmem>> -> memref<1x80x128xf32, #tpu.memory_space<vmem>>
        %dma_wait3A_140 = tpu.memref_squeeze %dma_wait3A_139 : memref<1x80x128xf32, #tpu.memory_space<vmem>> -> memref<80x128xf32, #tpu.memory_space<vmem>>
        %dma_wait3A_141 = arith.constant 0 : i32
        %dma_wait3A_142 = tpu.memref_slice %arg9[%add3A_135, %dma_wait3A_141] : memref<25x80xi32, #tpu.memory_space<vmem>> -> memref<1x80xi32, #tpu.memory_space<vmem>>
        %dma_wait3A_143 = tpu.memref_squeeze %dma_wait3A_142 : memref<1x80xi32, #tpu.memory_space<vmem>> -> memref<80xi32, #tpu.memory_space<vmem>>
        %dma_wait3A_144 = arith.constant 0 : i32
        %dma_wait3A_145 = arith.constant 0 : i32
        %dma_wait3A_146 = tpu.memref_slice %arg7[%dma_wait3A_144, %dma_wait3A_145] : memref<10000x128xf32, #tpu.memory_space<vmem_shared>> -> memref<10000x128xf32, #tpu.memory_space<vmem_shared>>
        %dma_wait3A_147 = tpu.memref_slice %arg12[%rem3A_136] : memref<4x!tpu.dma_semaphore, #tpu.memory_space<semaphore_mem>> -> memref<1x!tpu.dma_semaphore, #tpu.memory_space<semaphore_mem>>
        %dma_wait3A_148 = tpu.memref_squeeze %dma_wait3A_147 : memref<1x!tpu.dma_semaphore, #tpu.memory_space<semaphore_mem>> -> memref<!tpu.dma_semaphore, #tpu.memory_space<semaphore_mem>>
        tpu.wait_indirect_dma semaphore(%dma_wait3A_148 : memref<!tpu.dma_semaphore, #tpu.memory_space<semaphore_mem>>) src(%dma_wait3A_140 : memref<80x128xf32, #tpu.memory_space<vmem>>) dst(%dma_wait3A_146 : memref<10000x128xf32, #tpu.memory_space<vmem_shared>>)
      }
      %scan3A_132 = arith.constant 4 : i32
    }
    %scan3A_11 = arith.constant 5 : i32
    %barrier3A_12 = arith.constant 0 : index
    tpu.barrier barrier_id(%barrier3A_12)
    %mul3A_13 = arith.constant 624 : i32
    %mul3A_14 = arith.muli %arg1, %mul3A_13 : i32
    "tpu.region"() ({
      %run_scoped3A = tpu.sem_alloc : memref<!tpu.dma_semaphore, #tpu.memory_space<semaphore_mem>>
      %dma_start3A = arith.constant 0 : i32
      %dma_start3A_20 = tpu.memref_slice %arg6[%arg0, %mul3A_14, %dma_start3A] : memref<2x10000x128xf32, #tpu.memory_space<hbm>> -> memref<1x624x128xf32, #tpu.memory_space<hbm>>
      %dma_start3A_21 = tpu.memref_squeeze %dma_start3A_20 : memref<1x624x128xf32, #tpu.memory_space<hbm>> -> memref<624x128xf32, #tpu.memory_space<hbm>>
      %dma_start3A_22 = arith.constant 0 : i32
      %dma_start3A_23 = tpu.memref_slice %arg7[%mul3A_14, %dma_start3A_22] : memref<10000x128xf32, #tpu.memory_space<vmem_shared>> -> memref<624x128xf32, #tpu.memory_space<vmem_shared>>
      tpu.enqueue_dma source(%dma_start3A_23 : memref<624x128xf32, #tpu.memory_space<vmem_shared>>) target(%dma_start3A_21 : memref<624x128xf32, #tpu.memory_space<hbm>>) target_semaphore(%run_scoped3A : memref<!tpu.dma_semaphore, #tpu.memory_space<semaphore_mem>>)
      %dma_wait3A = arith.constant 0 : i32
      %dma_wait3A_24 = tpu.memref_slice %arg6[%arg0, %mul3A_14, %dma_wait3A] : memref<2x10000x128xf32, #tpu.memory_space<hbm>> -> memref<1x624x128xf32, #tpu.memory_space<hbm>>
      %dma_wait3A_25 = tpu.memref_squeeze %dma_wait3A_24 : memref<1x624x128xf32, #tpu.memory_space<hbm>> -> memref<624x128xf32, #tpu.memory_space<hbm>>
      %dma_wait3A_26 = arith.constant 0 : i32
      %dma_wait3A_27 = tpu.memref_slice %arg7[%mul3A_14, %dma_wait3A_26] : memref<10000x128xf32, #tpu.memory_space<vmem_shared>> -> memref<624x128xf32, #tpu.memory_space<vmem_shared>>
      tpu.wait_dma2 semaphore(%run_scoped3A : memref<!tpu.dma_semaphore, #tpu.memory_space<semaphore_mem>>) src(%dma_wait3A_27 : memref<624x128xf32, #tpu.memory_space<vmem_shared>>) dst(%dma_wait3A_25 : memref<624x128xf32, #tpu.memory_space<hbm>>)
      tpu.yield
    }) : () -> ()
    %eq3A_15 = arith.constant 15 : i32
    %eq3A_16 = arith.cmpi eq, %arg1, %eq3A_15 : i32
    %convert_element_type3A_17 = arith.extui %eq3A_16 : i1 to i32
    %cond3A_18 = arith.constant 0 : i32
    %cond3A_19 = arith.cmpi ne, %convert_element_type3A_17, %cond3A_18 : i32
    scf.if %cond3A_19 {
      "tpu.region"() ({
        %run_scoped3A = tpu.sem_alloc : memref<!tpu.dma_semaphore, #tpu.memory_space<semaphore_mem>>
        %dma_start3A = arith.constant 9984 : i32
        %dma_start3A_20 = arith.constant 0 : i32
        %dma_start3A_21 = tpu.memref_slice %arg6[%arg0, %dma_start3A, %dma_start3A_20] : memref<2x10000x128xf32, #tpu.memory_space<hbm>> -> memref<1x16x128xf32, #tpu.memory_space<hbm>>
        %dma_start3A_22 = tpu.memref_squeeze %dma_start3A_21 : memref<1x16x128xf32, #tpu.memory_space<hbm>> -> memref<16x128xf32, #tpu.memory_space<hbm>>
        %dma_start3A_23 = arith.constant 9984 : i32
        %dma_start3A_24 = arith.constant 0 : i32
        %dma_start3A_25 = tpu.memref_slice %arg7[%dma_start3A_23, %dma_start3A_24] : memref<10000x128xf32, #tpu.memory_space<vmem_shared>> -> memref<16x128xf32, #tpu.memory_space<vmem_shared>>
        tpu.enqueue_dma source(%dma_start3A_25 : memref<16x128xf32, #tpu.memory_space<vmem_shared>>) target(%dma_start3A_22 : memref<16x128xf32, #tpu.memory_space<hbm>>) target_semaphore(%run_scoped3A : memref<!tpu.dma_semaphore, #tpu.memory_space<semaphore_mem>>)
        %dma_wait3A = arith.constant 9984 : i32
        %dma_wait3A_26 = arith.constant 0 : i32
        %dma_wait3A_27 = tpu.memref_slice %arg6[%arg0, %dma_wait3A, %dma_wait3A_26] : memref<2x10000x128xf32, #tpu.memory_space<hbm>> -> memref<1x16x128xf32, #tpu.memory_space<hbm>>
        %dma_wait3A_28 = tpu.memref_squeeze %dma_wait3A_27 : memref<1x16x128xf32, #tpu.memory_space<hbm>> -> memref<16x128xf32, #tpu.memory_space<hbm>>
        %dma_wait3A_29 = arith.constant 9984 : i32
        %dma_wait3A_30 = arith.constant 0 : i32
        %dma_wait3A_31 = tpu.memref_slice %arg7[%dma_wait3A_29, %dma_wait3A_30] : memref<10000x128xf32, #tpu.memory_space<vmem_shared>> -> memref<16x128xf32, #tpu.memory_space<vmem_shared>>
        tpu.wait_dma2 semaphore(%run_scoped3A : memref<!tpu.dma_semaphore, #tpu.memory_space<semaphore_mem>>) src(%dma_wait3A_31 : memref<16x128xf32, #tpu.memory_space<vmem_shared>>) dst(%dma_wait3A_28 : memref<16x128xf32, #tpu.memory_space<hbm>>)
        tpu.yield
      }) : () -> ()
    } else {
    }
    return
  }
}

#map = affine_map<(d0, d1) -> (0, 0, 0)>
#map1 = affine_map<(d0, d1) -> (0, 0)>
module attributes {stable_mosaic.version = 14 : i64} {
  func.func @_deg_kernel(%arg0: i32, %arg1: i32, %arg2: memref<160x25x80xi32, #tpu.memory_space<hbm>>, %arg3: memref<10000x128xf32, #tpu.memory_space<hbm>>, %arg4: memref<80x128xf32, #tpu.memory_space<hbm>>, %arg5: memref<2x10000x128xf32, #tpu.memory_space<hbm>>, %arg6: memref<10000x128xf32, #tpu.memory_space<vmem_shared>>, %arg7: memref<25x80xi32, #tpu.memory_space<vmem>>, %arg8: memref<80x128xf32, #tpu.memory_space<vmem>>) attributes {dimension_semantics = [#tpu.dimension_semantics<core_parallel>, #tpu.dimension_semantics<subcore_parallel>], iteration_bounds = array<i64: 2, 16>, scalar_prefetch = 0 : i64, scratch_operands = 3 : i64, tpu.core_type = #tpu.core_type<sc_vector_subcore>, window_params = [{transform_indices = #map}, {transform_indices = #map1}, {transform_indices = #map1}, {transform_indices = #map}]} {
    %mul3A = arith.constant 16 : i32
    %mul3A_0 = arith.muli %arg0, %mul3A : i32
    %add3A = arith.addi %mul3A_0, %arg1 : i32
    %mul3A_1 = arith.constant 624 : i32
    %mul3A_2 = arith.muli %arg1, %mul3A_1 : i32
    "tpu.region"() ({
      %run_scoped3A = tpu.sem_alloc : memref<!tpu.dma_semaphore, #tpu.memory_space<semaphore_mem>>
      %dma_start3A = arith.constant 0 : i32
      %dma_start3A_18 = tpu.memref_slice %arg6[%mul3A_2, %dma_start3A] : memref<10000x128xf32, #tpu.memory_space<vmem_shared>> -> memref<624x128xf32, #tpu.memory_space<vmem_shared>>
      %dma_start3A_19 = arith.constant 0 : i32
      %dma_start3A_20 = tpu.memref_slice %arg3[%mul3A_2, %dma_start3A_19] : memref<10000x128xf32, #tpu.memory_space<hbm>> -> memref<624x128xf32, #tpu.memory_space<hbm>>
      tpu.enqueue_dma source(%dma_start3A_20 : memref<624x128xf32, #tpu.memory_space<hbm>>) target(%dma_start3A_18 : memref<624x128xf32, #tpu.memory_space<vmem_shared>>) target_semaphore(%run_scoped3A : memref<!tpu.dma_semaphore, #tpu.memory_space<semaphore_mem>>)
      %dma_wait3A = arith.constant 0 : i32
      %dma_wait3A_21 = tpu.memref_slice %arg6[%mul3A_2, %dma_wait3A] : memref<10000x128xf32, #tpu.memory_space<vmem_shared>> -> memref<624x128xf32, #tpu.memory_space<vmem_shared>>
      %dma_wait3A_22 = arith.constant 0 : i32
      %dma_wait3A_23 = tpu.memref_slice %arg3[%mul3A_2, %dma_wait3A_22] : memref<10000x128xf32, #tpu.memory_space<hbm>> -> memref<624x128xf32, #tpu.memory_space<hbm>>
      tpu.wait_dma2 semaphore(%run_scoped3A : memref<!tpu.dma_semaphore, #tpu.memory_space<semaphore_mem>>) src(%dma_wait3A_23 : memref<624x128xf32, #tpu.memory_space<hbm>>) dst(%dma_wait3A_21 : memref<624x128xf32, #tpu.memory_space<vmem_shared>>)
      tpu.yield
    }) : () -> ()
    %eq3A = arith.constant 15 : i32
    %eq3A_3 = arith.cmpi eq, %arg1, %eq3A : i32
    %convert_element_type3A = arith.extui %eq3A_3 : i1 to i32
    %cond3A = arith.constant 0 : i32
    %cond3A_4 = arith.cmpi ne, %convert_element_type3A, %cond3A : i32
    scf.if %cond3A_4 {
      "tpu.region"() ({
        %run_scoped3A = tpu.sem_alloc : memref<!tpu.dma_semaphore, #tpu.memory_space<semaphore_mem>>
        %dma_start3A = arith.constant 9984 : i32
        %dma_start3A_18 = arith.constant 0 : i32
        %dma_start3A_19 = tpu.memref_slice %arg6[%dma_start3A, %dma_start3A_18] : memref<10000x128xf32, #tpu.memory_space<vmem_shared>> -> memref<16x128xf32, #tpu.memory_space<vmem_shared>>
        %dma_start3A_20 = arith.constant 9984 : i32
        %dma_start3A_21 = arith.constant 0 : i32
        %dma_start3A_22 = tpu.memref_slice %arg3[%dma_start3A_20, %dma_start3A_21] : memref<10000x128xf32, #tpu.memory_space<hbm>> -> memref<16x128xf32, #tpu.memory_space<hbm>>
        tpu.enqueue_dma source(%dma_start3A_22 : memref<16x128xf32, #tpu.memory_space<hbm>>) target(%dma_start3A_19 : memref<16x128xf32, #tpu.memory_space<vmem_shared>>) target_semaphore(%run_scoped3A : memref<!tpu.dma_semaphore, #tpu.memory_space<semaphore_mem>>)
        %dma_wait3A = arith.constant 9984 : i32
        %dma_wait3A_23 = arith.constant 0 : i32
        %dma_wait3A_24 = tpu.memref_slice %arg6[%dma_wait3A, %dma_wait3A_23] : memref<10000x128xf32, #tpu.memory_space<vmem_shared>> -> memref<16x128xf32, #tpu.memory_space<vmem_shared>>
        %dma_wait3A_25 = arith.constant 9984 : i32
        %dma_wait3A_26 = arith.constant 0 : i32
        %dma_wait3A_27 = tpu.memref_slice %arg3[%dma_wait3A_25, %dma_wait3A_26] : memref<10000x128xf32, #tpu.memory_space<hbm>> -> memref<16x128xf32, #tpu.memory_space<hbm>>
        tpu.wait_dma2 semaphore(%run_scoped3A : memref<!tpu.dma_semaphore, #tpu.memory_space<semaphore_mem>>) src(%dma_wait3A_27 : memref<16x128xf32, #tpu.memory_space<hbm>>) dst(%dma_wait3A_24 : memref<16x128xf32, #tpu.memory_space<vmem_shared>>)
        tpu.yield
      }) : () -> ()
    } else {
    }
    "tpu.region"() ({
      %run_scoped3A = tpu.sem_alloc : memref<!tpu.dma_semaphore, #tpu.memory_space<semaphore_mem>>
      tpu.enqueue_dma source(%arg4 : memref<80x128xf32, #tpu.memory_space<hbm>>) target(%arg8 : memref<80x128xf32, #tpu.memory_space<vmem>>) target_semaphore(%run_scoped3A : memref<!tpu.dma_semaphore, #tpu.memory_space<semaphore_mem>>)
      tpu.wait_dma2 semaphore(%run_scoped3A : memref<!tpu.dma_semaphore, #tpu.memory_space<semaphore_mem>>) src(%arg4 : memref<80x128xf32, #tpu.memory_space<hbm>>) dst(%arg8 : memref<80x128xf32, #tpu.memory_space<vmem>>)
      tpu.yield
    }) : () -> ()
    %barrier3A = arith.constant 0 : index
    tpu.barrier barrier_id(%barrier3A)
    %scan3A = arith.constant 0 : i32
    %scan3A_5 = arith.constant 0 : i32
    %scan3A_6 = arith.constant 5 : i32
    %scan3A_7 = arith.addi %scan3A_5, %scan3A_6 : i32
    %scan3A_8 = arith.constant 1 : i32
    scf.for %scan3A_18 = %scan3A_5 to %scan3A_7 step %scan3A_8  : i32 {
      %mul3A_19 = arith.constant 5 : i32
      %mul3A_20 = arith.muli %add3A, %mul3A_19 : i32
      %add3A_21 = arith.addi %mul3A_20, %scan3A_18 : i32
      "tpu.region"() ({
        %run_scoped3A = tpu.sem_alloc : memref<!tpu.dma_semaphore, #tpu.memory_space<semaphore_mem>>
        %dma_start3A = arith.constant 0 : i32
        %dma_start3A_28 = arith.constant 0 : i32
        %dma_start3A_29 = tpu.memref_slice %arg2[%add3A_21, %dma_start3A, %dma_start3A_28] : memref<160x25x80xi32, #tpu.memory_space<hbm>> -> memref<1x25x80xi32, #tpu.memory_space<hbm>>
        %dma_start3A_30 = tpu.memref_squeeze %dma_start3A_29 : memref<1x25x80xi32, #tpu.memory_space<hbm>> -> memref<25x80xi32, #tpu.memory_space<hbm>>
        %dma_start3A_31 = arith.constant 0 : i32
        %dma_start3A_32 = arith.constant 0 : i32
        %dma_start3A_33 = tpu.memref_slice %arg2[%add3A_21, %dma_start3A_31, %dma_start3A_32] : memref<160x25x80xi32, #tpu.memory_space<hbm>> -> memref<1x25x80xi32, #tpu.memory_space<hbm>>
        %dma_start3A_34 = tpu.memref_squeeze %dma_start3A_33 : memref<1x25x80xi32, #tpu.memory_space<hbm>> -> memref<25x80xi32, #tpu.memory_space<hbm>>
        tpu.enqueue_dma source(%dma_start3A_34 : memref<25x80xi32, #tpu.memory_space<hbm>>) target(%arg7 : memref<25x80xi32, #tpu.memory_space<vmem>>) target_semaphore(%run_scoped3A : memref<!tpu.dma_semaphore, #tpu.memory_space<semaphore_mem>>)
        %dma_wait3A = arith.constant 0 : i32
        %dma_wait3A_35 = arith.constant 0 : i32
        %dma_wait3A_36 = tpu.memref_slice %arg2[%add3A_21, %dma_wait3A, %dma_wait3A_35] : memref<160x25x80xi32, #tpu.memory_space<hbm>> -> memref<1x25x80xi32, #tpu.memory_space<hbm>>
        %dma_wait3A_37 = tpu.memref_squeeze %dma_wait3A_36 : memref<1x25x80xi32, #tpu.memory_space<hbm>> -> memref<25x80xi32, #tpu.memory_space<hbm>>
        %dma_wait3A_38 = arith.constant 0 : i32
        %dma_wait3A_39 = arith.constant 0 : i32
        %dma_wait3A_40 = tpu.memref_slice %arg2[%add3A_21, %dma_wait3A_38, %dma_wait3A_39] : memref<160x25x80xi32, #tpu.memory_space<hbm>> -> memref<1x25x80xi32, #tpu.memory_space<hbm>>
        %dma_wait3A_41 = tpu.memref_squeeze %dma_wait3A_40 : memref<1x25x80xi32, #tpu.memory_space<hbm>> -> memref<25x80xi32, #tpu.memory_space<hbm>>
        tpu.wait_dma2 semaphore(%run_scoped3A : memref<!tpu.dma_semaphore, #tpu.memory_space<semaphore_mem>>) src(%dma_wait3A_41 : memref<25x80xi32, #tpu.memory_space<hbm>>) dst(%arg7 : memref<25x80xi32, #tpu.memory_space<vmem>>)
        tpu.yield
      }) : () -> ()
      %scan3A_22 = arith.constant 0 : i32
      %scan3A_23 = arith.constant 0 : i32
      %scan3A_24 = arith.constant 25 : i32
      %scan3A_25 = arith.addi %scan3A_23, %scan3A_24 : i32
      %scan3A_26 = arith.constant 1 : i32
      scf.for %scan3A_28 = %scan3A_23 to %scan3A_25 step %scan3A_26  : i32 {
        "tpu.region"() ({
          %run_scoped3A = tpu.sem_alloc : memref<!tpu.dma_semaphore, #tpu.memory_space<semaphore_mem>>
          %dma_start3A = arith.constant 0 : i32
          %dma_start3A_29 = tpu.memref_slice %arg7[%scan3A_28, %dma_start3A] : memref<25x80xi32, #tpu.memory_space<vmem>> -> memref<1x80xi32, #tpu.memory_space<vmem>>
          %dma_start3A_30 = tpu.memref_squeeze %dma_start3A_29 : memref<1x80xi32, #tpu.memory_space<vmem>> -> memref<80xi32, #tpu.memory_space<vmem>>
          %dma_start3A_31 = arith.constant 0 : i32
          %dma_start3A_32 = arith.constant 0 : i32
          %dma_start3A_33 = tpu.memref_slice %arg6[%dma_start3A_31, %dma_start3A_32] : memref<10000x128xf32, #tpu.memory_space<vmem_shared>> -> memref<10000x128xf32, #tpu.memory_space<vmem_shared>>
          tpu.enqueue_indirect_dma source(%arg8 : memref<80x128xf32, #tpu.memory_space<vmem>>) target(%dma_start3A_33 : memref<10000x128xf32, #tpu.memory_space<vmem_shared>>) offsets(%dma_start3A_30 : memref<80xi32, #tpu.memory_space<vmem>>) semaphore(%run_scoped3A : memref<!tpu.dma_semaphore, #tpu.memory_space<semaphore_mem>>) {add = true}
          %dma_wait3A = arith.constant 0 : i32
          %dma_wait3A_34 = tpu.memref_slice %arg7[%scan3A_28, %dma_wait3A] : memref<25x80xi32, #tpu.memory_space<vmem>> -> memref<1x80xi32, #tpu.memory_space<vmem>>
          %dma_wait3A_35 = tpu.memref_squeeze %dma_wait3A_34 : memref<1x80xi32, #tpu.memory_space<vmem>> -> memref<80xi32, #tpu.memory_space<vmem>>
          %dma_wait3A_36 = arith.constant 0 : i32
          %dma_wait3A_37 = arith.constant 0 : i32
          %dma_wait3A_38 = tpu.memref_slice %arg6[%dma_wait3A_36, %dma_wait3A_37] : memref<10000x128xf32, #tpu.memory_space<vmem_shared>> -> memref<10000x128xf32, #tpu.memory_space<vmem_shared>>
          tpu.wait_indirect_dma semaphore(%run_scoped3A : memref<!tpu.dma_semaphore, #tpu.memory_space<semaphore_mem>>) src(%arg8 : memref<80x128xf32, #tpu.memory_space<vmem>>) dst(%dma_wait3A_38 : memref<10000x128xf32, #tpu.memory_space<vmem_shared>>)
          tpu.yield
        }) : () -> ()
      }
      %scan3A_27 = arith.constant 25 : i32
    }
    %scan3A_9 = arith.constant 5 : i32
    %barrier3A_10 = arith.constant 0 : index
    tpu.barrier barrier_id(%barrier3A_10)
    %mul3A_11 = arith.constant 624 : i32
    %mul3A_12 = arith.muli %arg1, %mul3A_11 : i32
    "tpu.region"() ({
      %run_scoped3A = tpu.sem_alloc : memref<!tpu.dma_semaphore, #tpu.memory_space<semaphore_mem>>
      %dma_start3A = arith.constant 0 : i32
      %dma_start3A_18 = tpu.memref_slice %arg5[%arg0, %mul3A_12, %dma_start3A] : memref<2x10000x128xf32, #tpu.memory_space<hbm>> -> memref<1x624x128xf32, #tpu.memory_space<hbm>>
      %dma_start3A_19 = tpu.memref_squeeze %dma_start3A_18 : memref<1x624x128xf32, #tpu.memory_space<hbm>> -> memref<624x128xf32, #tpu.memory_space<hbm>>
      %dma_start3A_20 = arith.constant 0 : i32
      %dma_start3A_21 = tpu.memref_slice %arg6[%mul3A_12, %dma_start3A_20] : memref<10000x128xf32, #tpu.memory_space<vmem_shared>> -> memref<624x128xf32, #tpu.memory_space<vmem_shared>>
      tpu.enqueue_dma source(%dma_start3A_21 : memref<624x128xf32, #tpu.memory_space<vmem_shared>>) target(%dma_start3A_19 : memref<624x128xf32, #tpu.memory_space<hbm>>) target_semaphore(%run_scoped3A : memref<!tpu.dma_semaphore, #tpu.memory_space<semaphore_mem>>)
      %dma_wait3A = arith.constant 0 : i32
      %dma_wait3A_22 = tpu.memref_slice %arg5[%arg0, %mul3A_12, %dma_wait3A] : memref<2x10000x128xf32, #tpu.memory_space<hbm>> -> memref<1x624x128xf32, #tpu.memory_space<hbm>>
      %dma_wait3A_23 = tpu.memref_squeeze %dma_wait3A_22 : memref<1x624x128xf32, #tpu.memory_space<hbm>> -> memref<624x128xf32, #tpu.memory_space<hbm>>
      %dma_wait3A_24 = arith.constant 0 : i32
      %dma_wait3A_25 = tpu.memref_slice %arg6[%mul3A_12, %dma_wait3A_24] : memref<10000x128xf32, #tpu.memory_space<vmem_shared>> -> memref<624x128xf32, #tpu.memory_space<vmem_shared>>
      tpu.wait_dma2 semaphore(%run_scoped3A : memref<!tpu.dma_semaphore, #tpu.memory_space<semaphore_mem>>) src(%dma_wait3A_25 : memref<624x128xf32, #tpu.memory_space<vmem_shared>>) dst(%dma_wait3A_23 : memref<624x128xf32, #tpu.memory_space<hbm>>)
      tpu.yield
    }) : () -> ()
    %eq3A_13 = arith.constant 15 : i32
    %eq3A_14 = arith.cmpi eq, %arg1, %eq3A_13 : i32
    %convert_element_type3A_15 = arith.extui %eq3A_14 : i1 to i32
    %cond3A_16 = arith.constant 0 : i32
    %cond3A_17 = arith.cmpi ne, %convert_element_type3A_15, %cond3A_16 : i32
    scf.if %cond3A_17 {
      "tpu.region"() ({
        %run_scoped3A = tpu.sem_alloc : memref<!tpu.dma_semaphore, #tpu.memory_space<semaphore_mem>>
        %dma_start3A = arith.constant 9984 : i32
        %dma_start3A_18 = arith.constant 0 : i32
        %dma_start3A_19 = tpu.memref_slice %arg5[%arg0, %dma_start3A, %dma_start3A_18] : memref<2x10000x128xf32, #tpu.memory_space<hbm>> -> memref<1x16x128xf32, #tpu.memory_space<hbm>>
        %dma_start3A_20 = tpu.memref_squeeze %dma_start3A_19 : memref<1x16x128xf32, #tpu.memory_space<hbm>> -> memref<16x128xf32, #tpu.memory_space<hbm>>
        %dma_start3A_21 = arith.constant 9984 : i32
        %dma_start3A_22 = arith.constant 0 : i32
        %dma_start3A_23 = tpu.memref_slice %arg6[%dma_start3A_21, %dma_start3A_22] : memref<10000x128xf32, #tpu.memory_space<vmem_shared>> -> memref<16x128xf32, #tpu.memory_space<vmem_shared>>
        tpu.enqueue_dma source(%dma_start3A_23 : memref<16x128xf32, #tpu.memory_space<vmem_shared>>) target(%dma_start3A_20 : memref<16x128xf32, #tpu.memory_space<hbm>>) target_semaphore(%run_scoped3A : memref<!tpu.dma_semaphore, #tpu.memory_space<semaphore_mem>>)
        %dma_wait3A = arith.constant 9984 : i32
        %dma_wait3A_24 = arith.constant 0 : i32
        %dma_wait3A_25 = tpu.memref_slice %arg5[%arg0, %dma_wait3A, %dma_wait3A_24] : memref<2x10000x128xf32, #tpu.memory_space<hbm>> -> memref<1x16x128xf32, #tpu.memory_space<hbm>>
        %dma_wait3A_26 = tpu.memref_squeeze %dma_wait3A_25 : memref<1x16x128xf32, #tpu.memory_space<hbm>> -> memref<16x128xf32, #tpu.memory_space<hbm>>
        %dma_wait3A_27 = arith.constant 9984 : i32
        %dma_wait3A_28 = arith.constant 0 : i32
        %dma_wait3A_29 = tpu.memref_slice %arg6[%dma_wait3A_27, %dma_wait3A_28] : memref<10000x128xf32, #tpu.memory_space<vmem_shared>> -> memref<16x128xf32, #tpu.memory_space<vmem_shared>>
        tpu.wait_dma2 semaphore(%run_scoped3A : memref<!tpu.dma_semaphore, #tpu.memory_space<semaphore_mem>>) src(%dma_wait3A_29 : memref<16x128xf32, #tpu.memory_space<vmem_shared>>) dst(%dma_wait3A_26 : memref<16x128xf32, #tpu.memory_space<hbm>>)
        tpu.yield
      }) : () -> ()
    } else {
    }
    return
  }
}

#map = affine_map<(d0, d1) -> (0, 0)>
#map1 = affine_map<(d0, d1) -> (0, 0, 0)>
module attributes {stable_mosaic.version = 14 : i64} {
  func.func @_edge_kernel(%arg0: i32, %arg1: i32, %arg2: memref<10000x128xf32, #tpu.memory_space<hbm>>, %arg3: memref<160x25x80xi32, #tpu.memory_space<hbm>>, %arg4: memref<160x25x80xi32, #tpu.memory_space<hbm>>, %arg5: memref<10000x128xf32, #tpu.memory_space<hbm>>, %arg6: memref<2x10000x128xf32, #tpu.memory_space<hbm>>, %arg7: memref<10000x128xf32, #tpu.memory_space<vmem_shared>>, %arg8: memref<25x80xi32, #tpu.memory_space<vmem>>, %arg9: memref<25x80xi32, #tpu.memory_space<vmem>>, %arg10: memref<4x80x128xf32, #tpu.memory_space<vmem>>, %arg11: memref<4x!tpu.dma_semaphore, #tpu.memory_space<semaphore_mem>>, %arg12: memref<4x!tpu.dma_semaphore, #tpu.memory_space<semaphore_mem>>) attributes {dimension_semantics = [#tpu.dimension_semantics<core_parallel>, #tpu.dimension_semantics<subcore_parallel>], iteration_bounds = array<i64: 2, 16>, scalar_prefetch = 0 : i64, scratch_operands = 6 : i64, tpu.core_type = #tpu.core_type<sc_vector_subcore>, window_params = [{transform_indices = #map}, {transform_indices = #map1}, {transform_indices = #map1}, {transform_indices = #map}, {transform_indices = #map1}]} {
    %mul3A = arith.constant 16 : i32
    %mul3A_0 = arith.muli %arg0, %mul3A : i32
    %add3A = arith.addi %mul3A_0, %arg1 : i32
    %eq3A = arith.constant 0 : i32
    %eq3A_1 = arith.cmpi eq, %arg0, %eq3A : i32
    %convert_element_type3A = arith.extui %eq3A_1 : i1 to i32
    %cond3A = arith.constant 0 : i32
    %cond3A_2 = arith.cmpi ne, %convert_element_type3A, %cond3A : i32
    scf.if %cond3A_2 {
      %mul3A_20 = arith.constant 624 : i32
      %mul3A_21 = arith.muli %arg1, %mul3A_20 : i32
      "tpu.region"() ({
        %run_scoped3A = tpu.sem_alloc : memref<!tpu.dma_semaphore, #tpu.memory_space<semaphore_mem>>
        %dma_start3A = arith.constant 0 : i32
        %dma_start3A_27 = tpu.memref_slice %arg7[%mul3A_21, %dma_start3A] : memref<10000x128xf32, #tpu.memory_space<vmem_shared>> -> memref<624x128xf32, #tpu.memory_space<vmem_shared>>
        %dma_start3A_28 = arith.constant 0 : i32
        %dma_start3A_29 = tpu.memref_slice %arg2[%mul3A_21, %dma_start3A_28] : memref<10000x128xf32, #tpu.memory_space<hbm>> -> memref<624x128xf32, #tpu.memory_space<hbm>>
        tpu.enqueue_dma source(%dma_start3A_29 : memref<624x128xf32, #tpu.memory_space<hbm>>) target(%dma_start3A_27 : memref<624x128xf32, #tpu.memory_space<vmem_shared>>) target_semaphore(%run_scoped3A : memref<!tpu.dma_semaphore, #tpu.memory_space<semaphore_mem>>)
        %dma_wait3A = arith.constant 0 : i32
        %dma_wait3A_30 = tpu.memref_slice %arg7[%mul3A_21, %dma_wait3A] : memref<10000x128xf32, #tpu.memory_space<vmem_shared>> -> memref<624x128xf32, #tpu.memory_space<vmem_shared>>
        %dma_wait3A_31 = arith.constant 0 : i32
        %dma_wait3A_32 = tpu.memref_slice %arg2[%mul3A_21, %dma_wait3A_31] : memref<10000x128xf32, #tpu.memory_space<hbm>> -> memref<624x128xf32, #tpu.memory_space<hbm>>
        tpu.wait_dma2 semaphore(%run_scoped3A : memref<!tpu.dma_semaphore, #tpu.memory_space<semaphore_mem>>) src(%dma_wait3A_32 : memref<624x128xf32, #tpu.memory_space<hbm>>) dst(%dma_wait3A_30 : memref<624x128xf32, #tpu.memory_space<vmem_shared>>)
        tpu.yield
      }) : () -> ()
      %eq3A_22 = arith.constant 15 : i32
      %eq3A_23 = arith.cmpi eq, %arg1, %eq3A_22 : i32
      %convert_element_type3A_24 = arith.extui %eq3A_23 : i1 to i32
      %cond3A_25 = arith.constant 0 : i32
      %cond3A_26 = arith.cmpi ne, %convert_element_type3A_24, %cond3A_25 : i32
      scf.if %cond3A_26 {
        "tpu.region"() ({
          %run_scoped3A = tpu.sem_alloc : memref<!tpu.dma_semaphore, #tpu.memory_space<semaphore_mem>>
          %dma_start3A = arith.constant 9984 : i32
          %dma_start3A_27 = arith.constant 0 : i32
          %dma_start3A_28 = tpu.memref_slice %arg7[%dma_start3A, %dma_start3A_27] : memref<10000x128xf32, #tpu.memory_space<vmem_shared>> -> memref<16x128xf32, #tpu.memory_space<vmem_shared>>
          %dma_start3A_29 = arith.constant 9984 : i32
          %dma_start3A_30 = arith.constant 0 : i32
          %dma_start3A_31 = tpu.memref_slice %arg2[%dma_start3A_29, %dma_start3A_30] : memref<10000x128xf32, #tpu.memory_space<hbm>> -> memref<16x128xf32, #tpu.memory_space<hbm>>
          tpu.enqueue_dma source(%dma_start3A_31 : memref<16x128xf32, #tpu.memory_space<hbm>>) target(%dma_start3A_28 : memref<16x128xf32, #tpu.memory_space<vmem_shared>>) target_semaphore(%run_scoped3A : memref<!tpu.dma_semaphore, #tpu.memory_space<semaphore_mem>>)
          %dma_wait3A = arith.constant 9984 : i32
          %dma_wait3A_32 = arith.constant 0 : i32
          %dma_wait3A_33 = tpu.memref_slice %arg7[%dma_wait3A, %dma_wait3A_32] : memref<10000x128xf32, #tpu.memory_space<vmem_shared>> -> memref<16x128xf32, #tpu.memory_space<vmem_shared>>
          %dma_wait3A_34 = arith.constant 9984 : i32
          %dma_wait3A_35 = arith.constant 0 : i32
          %dma_wait3A_36 = tpu.memref_slice %arg2[%dma_wait3A_34, %dma_wait3A_35] : memref<10000x128xf32, #tpu.memory_space<hbm>> -> memref<16x128xf32, #tpu.memory_space<hbm>>
          tpu.wait_dma2 semaphore(%run_scoped3A : memref<!tpu.dma_semaphore, #tpu.memory_space<semaphore_mem>>) src(%dma_wait3A_36 : memref<16x128xf32, #tpu.memory_space<hbm>>) dst(%dma_wait3A_33 : memref<16x128xf32, #tpu.memory_space<vmem_shared>>)
          tpu.yield
        }) : () -> ()
      } else {
      }
    } else {
    }
    %ne3A = arith.constant 0 : i32
    %ne3A_3 = arith.cmpi ne, %arg0, %ne3A : i32
    %convert_element_type3A_4 = arith.extui %ne3A_3 : i1 to i32
    %cond3A_5 = arith.constant 0 : i32
    %cond3A_6 = arith.cmpi ne, %convert_element_type3A_4, %cond3A_5 : i32
    scf.if %cond3A_6 {
      %mul3A_20 = arith.constant 624 : i32
      %mul3A_21 = arith.muli %arg1, %mul3A_20 : i32
      "tpu.region"() ({
        %run_scoped3A = tpu.sem_alloc : memref<!tpu.dma_semaphore, #tpu.memory_space<semaphore_mem>>
        %dma_start3A = arith.constant 0 : i32
        %dma_start3A_27 = tpu.memref_slice %arg7[%mul3A_21, %dma_start3A] : memref<10000x128xf32, #tpu.memory_space<vmem_shared>> -> memref<624x128xf32, #tpu.memory_space<vmem_shared>>
        %dma_start3A_28 = arith.constant 0 : i32
        %dma_start3A_29 = tpu.memref_slice %arg5[%mul3A_21, %dma_start3A_28] : memref<10000x128xf32, #tpu.memory_space<hbm>> -> memref<624x128xf32, #tpu.memory_space<hbm>>
        tpu.enqueue_dma source(%dma_start3A_29 : memref<624x128xf32, #tpu.memory_space<hbm>>) target(%dma_start3A_27 : memref<624x128xf32, #tpu.memory_space<vmem_shared>>) target_semaphore(%run_scoped3A : memref<!tpu.dma_semaphore, #tpu.memory_space<semaphore_mem>>)
        %dma_wait3A = arith.constant 0 : i32
        %dma_wait3A_30 = tpu.memref_slice %arg7[%mul3A_21, %dma_wait3A] : memref<10000x128xf32, #tpu.memory_space<vmem_shared>> -> memref<624x128xf32, #tpu.memory_space<vmem_shared>>
        %dma_wait3A_31 = arith.constant 0 : i32
        %dma_wait3A_32 = tpu.memref_slice %arg5[%mul3A_21, %dma_wait3A_31] : memref<10000x128xf32, #tpu.memory_space<hbm>> -> memref<624x128xf32, #tpu.memory_space<hbm>>
        tpu.wait_dma2 semaphore(%run_scoped3A : memref<!tpu.dma_semaphore, #tpu.memory_space<semaphore_mem>>) src(%dma_wait3A_32 : memref<624x128xf32, #tpu.memory_space<hbm>>) dst(%dma_wait3A_30 : memref<624x128xf32, #tpu.memory_space<vmem_shared>>)
        tpu.yield
      }) : () -> ()
      %eq3A_22 = arith.constant 15 : i32
      %eq3A_23 = arith.cmpi eq, %arg1, %eq3A_22 : i32
      %convert_element_type3A_24 = arith.extui %eq3A_23 : i1 to i32
      %cond3A_25 = arith.constant 0 : i32
      %cond3A_26 = arith.cmpi ne, %convert_element_type3A_24, %cond3A_25 : i32
      scf.if %cond3A_26 {
        "tpu.region"() ({
          %run_scoped3A = tpu.sem_alloc : memref<!tpu.dma_semaphore, #tpu.memory_space<semaphore_mem>>
          %dma_start3A = arith.constant 9984 : i32
          %dma_start3A_27 = arith.constant 0 : i32
          %dma_start3A_28 = tpu.memref_slice %arg7[%dma_start3A, %dma_start3A_27] : memref<10000x128xf32, #tpu.memory_space<vmem_shared>> -> memref<16x128xf32, #tpu.memory_space<vmem_shared>>
          %dma_start3A_29 = arith.constant 9984 : i32
          %dma_start3A_30 = arith.constant 0 : i32
          %dma_start3A_31 = tpu.memref_slice %arg5[%dma_start3A_29, %dma_start3A_30] : memref<10000x128xf32, #tpu.memory_space<hbm>> -> memref<16x128xf32, #tpu.memory_space<hbm>>
          tpu.enqueue_dma source(%dma_start3A_31 : memref<16x128xf32, #tpu.memory_space<hbm>>) target(%dma_start3A_28 : memref<16x128xf32, #tpu.memory_space<vmem_shared>>) target_semaphore(%run_scoped3A : memref<!tpu.dma_semaphore, #tpu.memory_space<semaphore_mem>>)
          %dma_wait3A = arith.constant 9984 : i32
          %dma_wait3A_32 = arith.constant 0 : i32
          %dma_wait3A_33 = tpu.memref_slice %arg7[%dma_wait3A, %dma_wait3A_32] : memref<10000x128xf32, #tpu.memory_space<vmem_shared>> -> memref<16x128xf32, #tpu.memory_space<vmem_shared>>
          %dma_wait3A_34 = arith.constant 9984 : i32
          %dma_wait3A_35 = arith.constant 0 : i32
          %dma_wait3A_36 = tpu.memref_slice %arg5[%dma_wait3A_34, %dma_wait3A_35] : memref<10000x128xf32, #tpu.memory_space<hbm>> -> memref<16x128xf32, #tpu.memory_space<hbm>>
          tpu.wait_dma2 semaphore(%run_scoped3A : memref<!tpu.dma_semaphore, #tpu.memory_space<semaphore_mem>>) src(%dma_wait3A_36 : memref<16x128xf32, #tpu.memory_space<hbm>>) dst(%dma_wait3A_33 : memref<16x128xf32, #tpu.memory_space<vmem_shared>>)
          tpu.yield
        }) : () -> ()
      } else {
      }
    } else {
    }
    %barrier3A = arith.constant 0 : index
    tpu.barrier barrier_id(%barrier3A)
    %scan3A = arith.constant 0 : i32
    %scan3A_7 = arith.constant 0 : i32
    %scan3A_8 = arith.constant 5 : i32
    %scan3A_9 = arith.addi %scan3A_7, %scan3A_8 : i32
    %scan3A_10 = arith.constant 1 : i32
    scf.for %scan3A_20 = %scan3A_7 to %scan3A_9 step %scan3A_10  : i32 {
      %mul3A_21 = arith.constant 5 : i32
      %mul3A_22 = arith.muli %add3A, %mul3A_21 : i32
      %add3A_23 = arith.addi %mul3A_22, %scan3A_20 : i32
      "tpu.region"() ({
        %run_scoped3A = tpu.sem_alloc : memref<!tpu.dma_semaphore, #tpu.memory_space<semaphore_mem>>
        %dma_start3A_133 = arith.constant 0 : i32
        %dma_start3A_134 = arith.constant 0 : i32
        %dma_start3A_135 = tpu.memref_slice %arg3[%add3A_23, %dma_start3A_133, %dma_start3A_134] : memref<160x25x80xi32, #tpu.memory_space<hbm>> -> memref<1x25x80xi32, #tpu.memory_space<hbm>>
        %dma_start3A_136 = tpu.memref_squeeze %dma_start3A_135 : memref<1x25x80xi32, #tpu.memory_space<hbm>> -> memref<25x80xi32, #tpu.memory_space<hbm>>
        %dma_start3A_137 = arith.constant 0 : i32
        %dma_start3A_138 = arith.constant 0 : i32
        %dma_start3A_139 = tpu.memref_slice %arg3[%add3A_23, %dma_start3A_137, %dma_start3A_138] : memref<160x25x80xi32, #tpu.memory_space<hbm>> -> memref<1x25x80xi32, #tpu.memory_space<hbm>>
        %dma_start3A_140 = tpu.memref_squeeze %dma_start3A_139 : memref<1x25x80xi32, #tpu.memory_space<hbm>> -> memref<25x80xi32, #tpu.memory_space<hbm>>
        tpu.enqueue_dma source(%dma_start3A_140 : memref<25x80xi32, #tpu.memory_space<hbm>>) target(%arg8 : memref<25x80xi32, #tpu.memory_space<vmem>>) target_semaphore(%run_scoped3A : memref<!tpu.dma_semaphore, #tpu.memory_space<semaphore_mem>>)
        %dma_wait3A_141 = arith.constant 0 : i32
        %dma_wait3A_142 = arith.constant 0 : i32
        %dma_wait3A_143 = tpu.memref_slice %arg3[%add3A_23, %dma_wait3A_141, %dma_wait3A_142] : memref<160x25x80xi32, #tpu.memory_space<hbm>> -> memref<1x25x80xi32, #tpu.memory_space<hbm>>
        %dma_wait3A_144 = tpu.memref_squeeze %dma_wait3A_143 : memref<1x25x80xi32, #tpu.memory_space<hbm>> -> memref<25x80xi32, #tpu.memory_space<hbm>>
        %dma_wait3A_145 = arith.constant 0 : i32
        %dma_wait3A_146 = arith.constant 0 : i32
        %dma_wait3A_147 = tpu.memref_slice %arg3[%add3A_23, %dma_wait3A_145, %dma_wait3A_146] : memref<160x25x80xi32, #tpu.memory_space<hbm>> -> memref<1x25x80xi32, #tpu.memory_space<hbm>>
        %dma_wait3A_148 = tpu.memref_squeeze %dma_wait3A_147 : memref<1x25x80xi32, #tpu.memory_space<hbm>> -> memref<25x80xi32, #tpu.memory_space<hbm>>
        tpu.wait_dma2 semaphore(%run_scoped3A : memref<!tpu.dma_semaphore, #tpu.memory_space<semaphore_mem>>) src(%dma_wait3A_148 : memref<25x80xi32, #tpu.memory_space<hbm>>) dst(%arg8 : memref<25x80xi32, #tpu.memory_space<vmem>>)
        tpu.yield
      }) : () -> ()
      %mul3A_24 = arith.constant 5 : i32
      %mul3A_25 = arith.muli %add3A, %mul3A_24 : i32
      %add3A_26 = arith.addi %mul3A_25, %scan3A_20 : i32
      "tpu.region"() ({
        %run_scoped3A = tpu.sem_alloc : memref<!tpu.dma_semaphore, #tpu.memory_space<semaphore_mem>>
        %dma_start3A_133 = arith.constant 0 : i32
        %dma_start3A_134 = arith.constant 0 : i32
        %dma_start3A_135 = tpu.memref_slice %arg4[%add3A_26, %dma_start3A_133, %dma_start3A_134] : memref<160x25x80xi32, #tpu.memory_space<hbm>> -> memref<1x25x80xi32, #tpu.memory_space<hbm>>
        %dma_start3A_136 = tpu.memref_squeeze %dma_start3A_135 : memref<1x25x80xi32, #tpu.memory_space<hbm>> -> memref<25x80xi32, #tpu.memory_space<hbm>>
        %dma_start3A_137 = arith.constant 0 : i32
        %dma_start3A_138 = arith.constant 0 : i32
        %dma_start3A_139 = tpu.memref_slice %arg4[%add3A_26, %dma_start3A_137, %dma_start3A_138] : memref<160x25x80xi32, #tpu.memory_space<hbm>> -> memref<1x25x80xi32, #tpu.memory_space<hbm>>
        %dma_start3A_140 = tpu.memref_squeeze %dma_start3A_139 : memref<1x25x80xi32, #tpu.memory_space<hbm>> -> memref<25x80xi32, #tpu.memory_space<hbm>>
        tpu.enqueue_dma source(%dma_start3A_140 : memref<25x80xi32, #tpu.memory_space<hbm>>) target(%arg9 : memref<25x80xi32, #tpu.memory_space<vmem>>) target_semaphore(%run_scoped3A : memref<!tpu.dma_semaphore, #tpu.memory_space<semaphore_mem>>)
        %dma_wait3A_141 = arith.constant 0 : i32
        %dma_wait3A_142 = arith.constant 0 : i32
        %dma_wait3A_143 = tpu.memref_slice %arg4[%add3A_26, %dma_wait3A_141, %dma_wait3A_142] : memref<160x25x80xi32, #tpu.memory_space<hbm>> -> memref<1x25x80xi32, #tpu.memory_space<hbm>>
        %dma_wait3A_144 = tpu.memref_squeeze %dma_wait3A_143 : memref<1x25x80xi32, #tpu.memory_space<hbm>> -> memref<25x80xi32, #tpu.memory_space<hbm>>
        %dma_wait3A_145 = arith.constant 0 : i32
        %dma_wait3A_146 = arith.constant 0 : i32
        %dma_wait3A_147 = tpu.memref_slice %arg4[%add3A_26, %dma_wait3A_145, %dma_wait3A_146] : memref<160x25x80xi32, #tpu.memory_space<hbm>> -> memref<1x25x80xi32, #tpu.memory_space<hbm>>
        %dma_wait3A_148 = tpu.memref_squeeze %dma_wait3A_147 : memref<1x25x80xi32, #tpu.memory_space<hbm>> -> memref<25x80xi32, #tpu.memory_space<hbm>>
        tpu.wait_dma2 semaphore(%run_scoped3A : memref<!tpu.dma_semaphore, #tpu.memory_space<semaphore_mem>>) src(%dma_wait3A_148 : memref<25x80xi32, #tpu.memory_space<hbm>>) dst(%arg9 : memref<25x80xi32, #tpu.memory_space<vmem>>)
        tpu.yield
      }) : () -> ()
      %dma_start3A = arith.constant 0 : i32
      %dma_start3A_27 = arith.constant 0 : i32
      %dma_start3A_28 = arith.constant 0 : i32
      %dma_start3A_29 = arith.constant 0 : i32
      %dma_start3A_30 = arith.constant 0 : i32
      %dma_start3A_31 = tpu.memref_slice %arg10[%dma_start3A_27, %dma_start3A_29, %dma_start3A_30] : memref<4x80x128xf32, #tpu.memory_space<vmem>> -> memref<1x80x128xf32, #tpu.memory_space<vmem>>
      %dma_start3A_32 = tpu.memref_squeeze %dma_start3A_31 : memref<1x80x128xf32, #tpu.memory_space<vmem>> -> memref<80x128xf32, #tpu.memory_space<vmem>>
      %dma_start3A_33 = arith.constant 0 : i32
      %dma_start3A_34 = tpu.memref_slice %arg8[%dma_start3A, %dma_start3A_33] : memref<25x80xi32, #tpu.memory_space<vmem>> -> memref<1x80xi32, #tpu.memory_space<vmem>>
      %dma_start3A_35 = tpu.memref_squeeze %dma_start3A_34 : memref<1x80xi32, #tpu.memory_space<vmem>> -> memref<80xi32, #tpu.memory_space<vmem>>
      %dma_start3A_36 = arith.constant 0 : i32
      %dma_start3A_37 = arith.constant 0 : i32
      %dma_start3A_38 = tpu.memref_slice %arg2[%dma_start3A_36, %dma_start3A_37] : memref<10000x128xf32, #tpu.memory_space<hbm>> -> memref<10000x128xf32, #tpu.memory_space<hbm>>
      %dma_start3A_39 = tpu.memref_slice %arg11[%dma_start3A_28] : memref<4x!tpu.dma_semaphore, #tpu.memory_space<semaphore_mem>> -> memref<1x!tpu.dma_semaphore, #tpu.memory_space<semaphore_mem>>
      %dma_start3A_40 = tpu.memref_squeeze %dma_start3A_39 : memref<1x!tpu.dma_semaphore, #tpu.memory_space<semaphore_mem>> -> memref<!tpu.dma_semaphore, #tpu.memory_space<semaphore_mem>>
      tpu.enqueue_indirect_dma source(%dma_start3A_38 : memref<10000x128xf32, #tpu.memory_space<hbm>>) target(%dma_start3A_32 : memref<80x128xf32, #tpu.memory_space<vmem>>) offsets(%dma_start3A_35 : memref<80xi32, #tpu.memory_space<vmem>>) semaphore(%dma_start3A_40 : memref<!tpu.dma_semaphore, #tpu.memory_space<semaphore_mem>>)
      %dma_start3A_41 = arith.constant 1 : i32
      %dma_start3A_42 = arith.constant 1 : i32
      %dma_start3A_43 = arith.constant 1 : i32
      %dma_start3A_44 = arith.constant 0 : i32
      %dma_start3A_45 = arith.constant 0 : i32
      %dma_start3A_46 = tpu.memref_slice %arg10[%dma_start3A_42, %dma_start3A_44, %dma_start3A_45] : memref<4x80x128xf32, #tpu.memory_space<vmem>> -> memref<1x80x128xf32, #tpu.memory_space<vmem>>
      %dma_start3A_47 = tpu.memref_squeeze %dma_start3A_46 : memref<1x80x128xf32, #tpu.memory_space<vmem>> -> memref<80x128xf32, #tpu.memory_space<vmem>>
      %dma_start3A_48 = arith.constant 0 : i32
      %dma_start3A_49 = tpu.memref_slice %arg8[%dma_start3A_41, %dma_start3A_48] : memref<25x80xi32, #tpu.memory_space<vmem>> -> memref<1x80xi32, #tpu.memory_space<vmem>>
      %dma_start3A_50 = tpu.memref_squeeze %dma_start3A_49 : memref<1x80xi32, #tpu.memory_space<vmem>> -> memref<80xi32, #tpu.memory_space<vmem>>
      %dma_start3A_51 = arith.constant 0 : i32
      %dma_start3A_52 = arith.constant 0 : i32
      %dma_start3A_53 = tpu.memref_slice %arg2[%dma_start3A_51, %dma_start3A_52] : memref<10000x128xf32, #tpu.memory_space<hbm>> -> memref<10000x128xf32, #tpu.memory_space<hbm>>
      %dma_start3A_54 = tpu.memref_slice %arg11[%dma_start3A_43] : memref<4x!tpu.dma_semaphore, #tpu.memory_space<semaphore_mem>> -> memref<1x!tpu.dma_semaphore, #tpu.memory_space<semaphore_mem>>
      %dma_start3A_55 = tpu.memref_squeeze %dma_start3A_54 : memref<1x!tpu.dma_semaphore, #tpu.memory_space<semaphore_mem>> -> memref<!tpu.dma_semaphore, #tpu.memory_space<semaphore_mem>>
      tpu.enqueue_indirect_dma source(%dma_start3A_53 : memref<10000x128xf32, #tpu.memory_space<hbm>>) target(%dma_start3A_47 : memref<80x128xf32, #tpu.memory_space<vmem>>) offsets(%dma_start3A_50 : memref<80xi32, #tpu.memory_space<vmem>>) semaphore(%dma_start3A_55 : memref<!tpu.dma_semaphore, #tpu.memory_space<semaphore_mem>>)
      %dma_start3A_56 = arith.constant 2 : i32
      %dma_start3A_57 = arith.constant 2 : i32
      %dma_start3A_58 = arith.constant 2 : i32
      %dma_start3A_59 = arith.constant 0 : i32
      %dma_start3A_60 = arith.constant 0 : i32
      %dma_start3A_61 = tpu.memref_slice %arg10[%dma_start3A_57, %dma_start3A_59, %dma_start3A_60] : memref<4x80x128xf32, #tpu.memory_space<vmem>> -> memref<1x80x128xf32, #tpu.memory_space<vmem>>
      %dma_start3A_62 = tpu.memref_squeeze %dma_start3A_61 : memref<1x80x128xf32, #tpu.memory_space<vmem>> -> memref<80x128xf32, #tpu.memory_space<vmem>>
      %dma_start3A_63 = arith.constant 0 : i32
      %dma_start3A_64 = tpu.memref_slice %arg8[%dma_start3A_56, %dma_start3A_63] : memref<25x80xi32, #tpu.memory_space<vmem>> -> memref<1x80xi32, #tpu.memory_space<vmem>>
      %dma_start3A_65 = tpu.memref_squeeze %dma_start3A_64 : memref<1x80xi32, #tpu.memory_space<vmem>> -> memref<80xi32, #tpu.memory_space<vmem>>
      %dma_start3A_66 = arith.constant 0 : i32
      %dma_start3A_67 = arith.constant 0 : i32
      %dma_start3A_68 = tpu.memref_slice %arg2[%dma_start3A_66, %dma_start3A_67] : memref<10000x128xf32, #tpu.memory_space<hbm>> -> memref<10000x128xf32, #tpu.memory_space<hbm>>
      %dma_start3A_69 = tpu.memref_slice %arg11[%dma_start3A_58] : memref<4x!tpu.dma_semaphore, #tpu.memory_space<semaphore_mem>> -> memref<1x!tpu.dma_semaphore, #tpu.memory_space<semaphore_mem>>
      %dma_start3A_70 = tpu.memref_squeeze %dma_start3A_69 : memref<1x!tpu.dma_semaphore, #tpu.memory_space<semaphore_mem>> -> memref<!tpu.dma_semaphore, #tpu.memory_space<semaphore_mem>>
      tpu.enqueue_indirect_dma source(%dma_start3A_68 : memref<10000x128xf32, #tpu.memory_space<hbm>>) target(%dma_start3A_62 : memref<80x128xf32, #tpu.memory_space<vmem>>) offsets(%dma_start3A_65 : memref<80xi32, #tpu.memory_space<vmem>>) semaphore(%dma_start3A_70 : memref<!tpu.dma_semaphore, #tpu.memory_space<semaphore_mem>>)
      %dma_start3A_71 = arith.constant 3 : i32
      %dma_start3A_72 = arith.constant 3 : i32
      %dma_start3A_73 = arith.constant 3 : i32
      %dma_start3A_74 = arith.constant 0 : i32
      %dma_start3A_75 = arith.constant 0 : i32
      %dma_start3A_76 = tpu.memref_slice %arg10[%dma_start3A_72, %dma_start3A_74, %dma_start3A_75] : memref<4x80x128xf32, #tpu.memory_space<vmem>> -> memref<1x80x128xf32, #tpu.memory_space<vmem>>
      %dma_start3A_77 = tpu.memref_squeeze %dma_start3A_76 : memref<1x80x128xf32, #tpu.memory_space<vmem>> -> memref<80x128xf32, #tpu.memory_space<vmem>>
      %dma_start3A_78 = arith.constant 0 : i32
      %dma_start3A_79 = tpu.memref_slice %arg8[%dma_start3A_71, %dma_start3A_78] : memref<25x80xi32, #tpu.memory_space<vmem>> -> memref<1x80xi32, #tpu.memory_space<vmem>>
      %dma_start3A_80 = tpu.memref_squeeze %dma_start3A_79 : memref<1x80xi32, #tpu.memory_space<vmem>> -> memref<80xi32, #tpu.memory_space<vmem>>
      %dma_start3A_81 = arith.constant 0 : i32
      %dma_start3A_82 = arith.constant 0 : i32
      %dma_start3A_83 = tpu.memref_slice %arg2[%dma_start3A_81, %dma_start3A_82] : memref<10000x128xf32, #tpu.memory_space<hbm>> -> memref<10000x128xf32, #tpu.memory_space<hbm>>
      %dma_start3A_84 = tpu.memref_slice %arg11[%dma_start3A_73] : memref<4x!tpu.dma_semaphore, #tpu.memory_space<semaphore_mem>> -> memref<1x!tpu.dma_semaphore, #tpu.memory_space<semaphore_mem>>
      %dma_start3A_85 = tpu.memref_squeeze %dma_start3A_84 : memref<1x!tpu.dma_semaphore, #tpu.memory_space<semaphore_mem>> -> memref<!tpu.dma_semaphore, #tpu.memory_space<semaphore_mem>>
      tpu.enqueue_indirect_dma source(%dma_start3A_83 : memref<10000x128xf32, #tpu.memory_space<hbm>>) target(%dma_start3A_77 : memref<80x128xf32, #tpu.memory_space<vmem>>) offsets(%dma_start3A_80 : memref<80xi32, #tpu.memory_space<vmem>>) semaphore(%dma_start3A_85 : memref<!tpu.dma_semaphore, #tpu.memory_space<semaphore_mem>>)
      %dma_wait3A = arith.constant 0 : i32
      %dma_wait3A_86 = arith.constant 0 : i32
      %dma_wait3A_87 = arith.constant 0 : i32
      %dma_wait3A_88 = arith.constant 0 : i32
      %dma_wait3A_89 = arith.constant 0 : i32
      %dma_wait3A_90 = tpu.memref_slice %arg10[%dma_wait3A_86, %dma_wait3A_88, %dma_wait3A_89] : memref<4x80x128xf32, #tpu.memory_space<vmem>> -> memref<1x80x128xf32, #tpu.memory_space<vmem>>
      %dma_wait3A_91 = tpu.memref_squeeze %dma_wait3A_90 : memref<1x80x128xf32, #tpu.memory_space<vmem>> -> memref<80x128xf32, #tpu.memory_space<vmem>>
      %dma_wait3A_92 = arith.constant 0 : i32
      %dma_wait3A_93 = tpu.memref_slice %arg8[%dma_wait3A, %dma_wait3A_92] : memref<25x80xi32, #tpu.memory_space<vmem>> -> memref<1x80xi32, #tpu.memory_space<vmem>>
      %dma_wait3A_94 = tpu.memref_squeeze %dma_wait3A_93 : memref<1x80xi32, #tpu.memory_space<vmem>> -> memref<80xi32, #tpu.memory_space<vmem>>
      %dma_wait3A_95 = arith.constant 0 : i32
      %dma_wait3A_96 = arith.constant 0 : i32
      %dma_wait3A_97 = tpu.memref_slice %arg2[%dma_wait3A_95, %dma_wait3A_96] : memref<10000x128xf32, #tpu.memory_space<hbm>> -> memref<10000x128xf32, #tpu.memory_space<hbm>>
      %dma_wait3A_98 = tpu.memref_slice %arg11[%dma_wait3A_87] : memref<4x!tpu.dma_semaphore, #tpu.memory_space<semaphore_mem>> -> memref<1x!tpu.dma_semaphore, #tpu.memory_space<semaphore_mem>>
      %dma_wait3A_99 = tpu.memref_squeeze %dma_wait3A_98 : memref<1x!tpu.dma_semaphore, #tpu.memory_space<semaphore_mem>> -> memref<!tpu.dma_semaphore, #tpu.memory_space<semaphore_mem>>
      tpu.wait_indirect_dma semaphore(%dma_wait3A_99 : memref<!tpu.dma_semaphore, #tpu.memory_space<semaphore_mem>>) src(%dma_wait3A_97 : memref<10000x128xf32, #tpu.memory_space<hbm>>) dst(%dma_wait3A_91 : memref<80x128xf32, #tpu.memory_space<vmem>>)
      %dma_start3A_100 = arith.constant 0 : i32
      %dma_start3A_101 = arith.constant 0 : i32
      %dma_start3A_102 = arith.constant 0 : i32
      %dma_start3A_103 = arith.constant 0 : i32
      %dma_start3A_104 = arith.constant 0 : i32
      %dma_start3A_105 = tpu.memref_slice %arg10[%dma_start3A_100, %dma_start3A_103, %dma_start3A_104] : memref<4x80x128xf32, #tpu.memory_space<vmem>> -> memref<1x80x128xf32, #tpu.memory_space<vmem>>
      %dma_start3A_106 = tpu.memref_squeeze %dma_start3A_105 : memref<1x80x128xf32, #tpu.memory_space<vmem>> -> memref<80x128xf32, #tpu.memory_space<vmem>>
      %dma_start3A_107 = arith.constant 0 : i32
      %dma_start3A_108 = tpu.memref_slice %arg9[%dma_start3A_101, %dma_start3A_107] : memref<25x80xi32, #tpu.memory_space<vmem>> -> memref<1x80xi32, #tpu.memory_space<vmem>>
      %dma_start3A_109 = tpu.memref_squeeze %dma_start3A_108 : memref<1x80xi32, #tpu.memory_space<vmem>> -> memref<80xi32, #tpu.memory_space<vmem>>
      %dma_start3A_110 = arith.constant 0 : i32
      %dma_start3A_111 = arith.constant 0 : i32
      %dma_start3A_112 = tpu.memref_slice %arg7[%dma_start3A_110, %dma_start3A_111] : memref<10000x128xf32, #tpu.memory_space<vmem_shared>> -> memref<10000x128xf32, #tpu.memory_space<vmem_shared>>
      %dma_start3A_113 = tpu.memref_slice %arg12[%dma_start3A_102] : memref<4x!tpu.dma_semaphore, #tpu.memory_space<semaphore_mem>> -> memref<1x!tpu.dma_semaphore, #tpu.memory_space<semaphore_mem>>
      %dma_start3A_114 = tpu.memref_squeeze %dma_start3A_113 : memref<1x!tpu.dma_semaphore, #tpu.memory_space<semaphore_mem>> -> memref<!tpu.dma_semaphore, #tpu.memory_space<semaphore_mem>>
      tpu.enqueue_indirect_dma source(%dma_start3A_106 : memref<80x128xf32, #tpu.memory_space<vmem>>) target(%dma_start3A_112 : memref<10000x128xf32, #tpu.memory_space<vmem_shared>>) offsets(%dma_start3A_109 : memref<80xi32, #tpu.memory_space<vmem>>) semaphore(%dma_start3A_114 : memref<!tpu.dma_semaphore, #tpu.memory_space<semaphore_mem>>) {add = true}
      %scan3A_115 = arith.constant 0 : i32
      %scan3A_116 = arith.constant 1 : i32
      %scan3A_117 = arith.constant 21 : i32
      %scan3A_118 = arith.addi %scan3A_116, %scan3A_117 : i32
      %scan3A_119 = arith.constant 1 : i32
      scf.for %scan3A_133 = %scan3A_116 to %scan3A_118 step %scan3A_119  : i32 {
        %sub3A = arith.constant 1 : i32
        %sub3A_134 = arith.subi %scan3A_133, %sub3A : i32
        %rem3A = arith.constant 4 : i32
        %rem3A_135 = arith.remsi %sub3A_134, %rem3A : i32
        %sub3A_136 = arith.constant 1 : i32
        %sub3A_137 = arith.subi %scan3A_133, %sub3A_136 : i32
        %dma_wait3A_138 = arith.constant 0 : i32
        %dma_wait3A_139 = arith.constant 0 : i32
        %dma_wait3A_140 = tpu.memref_slice %arg10[%rem3A_135, %dma_wait3A_138, %dma_wait3A_139] : memref<4x80x128xf32, #tpu.memory_space<vmem>> -> memref<1x80x128xf32, #tpu.memory_space<vmem>>
        %dma_wait3A_141 = tpu.memref_squeeze %dma_wait3A_140 : memref<1x80x128xf32, #tpu.memory_space<vmem>> -> memref<80x128xf32, #tpu.memory_space<vmem>>
        %dma_wait3A_142 = arith.constant 0 : i32
        %dma_wait3A_143 = tpu.memref_slice %arg9[%sub3A_137, %dma_wait3A_142] : memref<25x80xi32, #tpu.memory_space<vmem>> -> memref<1x80xi32, #tpu.memory_space<vmem>>
        %dma_wait3A_144 = tpu.memref_squeeze %dma_wait3A_143 : memref<1x80xi32, #tpu.memory_space<vmem>> -> memref<80xi32, #tpu.memory_space<vmem>>
        %dma_wait3A_145 = arith.constant 0 : i32
        %dma_wait3A_146 = arith.constant 0 : i32
        %dma_wait3A_147 = tpu.memref_slice %arg7[%dma_wait3A_145, %dma_wait3A_146] : memref<10000x128xf32, #tpu.memory_space<vmem_shared>> -> memref<10000x128xf32, #tpu.memory_space<vmem_shared>>
        %dma_wait3A_148 = tpu.memref_slice %arg12[%rem3A_135] : memref<4x!tpu.dma_semaphore, #tpu.memory_space<semaphore_mem>> -> memref<1x!tpu.dma_semaphore, #tpu.memory_space<semaphore_mem>>
        %dma_wait3A_149 = tpu.memref_squeeze %dma_wait3A_148 : memref<1x!tpu.dma_semaphore, #tpu.memory_space<semaphore_mem>> -> memref<!tpu.dma_semaphore, #tpu.memory_space<semaphore_mem>>
        tpu.wait_indirect_dma semaphore(%dma_wait3A_149 : memref<!tpu.dma_semaphore, #tpu.memory_space<semaphore_mem>>) src(%dma_wait3A_141 : memref<80x128xf32, #tpu.memory_space<vmem>>) dst(%dma_wait3A_147 : memref<10000x128xf32, #tpu.memory_space<vmem_shared>>)
        %sub3A_150 = arith.constant 1 : i32
        %sub3A_151 = arith.subi %scan3A_133, %sub3A_150 : i32
        %add3A_152 = arith.constant 4 : i32
        %add3A_153 = arith.addi %sub3A_151, %add3A_152 : i32
        %dma_start3A_154 = arith.constant 0 : i32
        %dma_start3A_155 = arith.constant 0 : i32
        %dma_start3A_156 = tpu.memref_slice %arg10[%rem3A_135, %dma_start3A_154, %dma_start3A_155] : memref<4x80x128xf32, #tpu.memory_space<vmem>> -> memref<1x80x128xf32, #tpu.memory_space<vmem>>
        %dma_start3A_157 = tpu.memref_squeeze %dma_start3A_156 : memref<1x80x128xf32, #tpu.memory_space<vmem>> -> memref<80x128xf32, #tpu.memory_space<vmem>>
        %dma_start3A_158 = arith.constant 0 : i32
        %dma_start3A_159 = tpu.memref_slice %arg8[%add3A_153, %dma_start3A_158] : memref<25x80xi32, #tpu.memory_space<vmem>> -> memref<1x80xi32, #tpu.memory_space<vmem>>
        %dma_start3A_160 = tpu.memref_squeeze %dma_start3A_159 : memref<1x80xi32, #tpu.memory_space<vmem>> -> memref<80xi32, #tpu.memory_space<vmem>>
        %dma_start3A_161 = arith.constant 0 : i32
        %dma_start3A_162 = arith.constant 0 : i32
        %dma_start3A_163 = tpu.memref_slice %arg2[%dma_start3A_161, %dma_start3A_162] : memref<10000x128xf32, #tpu.memory_space<hbm>> -> memref<10000x128xf32, #tpu.memory_space<hbm>>
        %dma_start3A_164 = tpu.memref_slice %arg11[%rem3A_135] : memref<4x!tpu.dma_semaphore, #tpu.memory_space<semaphore_mem>> -> memref<1x!tpu.dma_semaphore, #tpu.memory_space<semaphore_mem>>
        %dma_start3A_165 = tpu.memref_squeeze %dma_start3A_164 : memref<1x!tpu.dma_semaphore, #tpu.memory_space<semaphore_mem>> -> memref<!tpu.dma_semaphore, #tpu.memory_space<semaphore_mem>>
        tpu.enqueue_indirect_dma source(%dma_start3A_163 : memref<10000x128xf32, #tpu.memory_space<hbm>>) target(%dma_start3A_157 : memref<80x128xf32, #tpu.memory_space<vmem>>) offsets(%dma_start3A_160 : memref<80xi32, #tpu.memory_space<vmem>>) semaphore(%dma_start3A_165 : memref<!tpu.dma_semaphore, #tpu.memory_space<semaphore_mem>>)
        %rem3A_166 = arith.constant 4 : i32
        %rem3A_167 = arith.remsi %scan3A_133, %rem3A_166 : i32
        %dma_wait3A_168 = arith.constant 0 : i32
        %dma_wait3A_169 = arith.constant 0 : i32
        %dma_wait3A_170 = tpu.memref_slice %arg10[%rem3A_167, %dma_wait3A_168, %dma_wait3A_169] : memref<4x80x128xf32, #tpu.memory_space<vmem>> -> memref<1x80x128xf32, #tpu.memory_space<vmem>>
        %dma_wait3A_171 = tpu.memref_squeeze %dma_wait3A_170 : memref<1x80x128xf32, #tpu.memory_space<vmem>> -> memref<80x128xf32, #tpu.memory_space<vmem>>
        %dma_wait3A_172 = arith.constant 0 : i32
        %dma_wait3A_173 = tpu.memref_slice %arg8[%scan3A_133, %dma_wait3A_172] : memref<25x80xi32, #tpu.memory_space<vmem>> -> memref<1x80xi32, #tpu.memory_space<vmem>>
        %dma_wait3A_174 = tpu.memref_squeeze %dma_wait3A_173 : memref<1x80xi32, #tpu.memory_space<vmem>> -> memref<80xi32, #tpu.memory_space<vmem>>
        %dma_wait3A_175 = arith.constant 0 : i32
        %dma_wait3A_176 = arith.constant 0 : i32
        %dma_wait3A_177 = tpu.memref_slice %arg2[%dma_wait3A_175, %dma_wait3A_176] : memref<10000x128xf32, #tpu.memory_space<hbm>> -> memref<10000x128xf32, #tpu.memory_space<hbm>>
        %dma_wait3A_178 = tpu.memref_slice %arg11[%rem3A_167] : memref<4x!tpu.dma_semaphore, #tpu.memory_space<semaphore_mem>> -> memref<1x!tpu.dma_semaphore, #tpu.memory_space<semaphore_mem>>
        %dma_wait3A_179 = tpu.memref_squeeze %dma_wait3A_178 : memref<1x!tpu.dma_semaphore, #tpu.memory_space<semaphore_mem>> -> memref<!tpu.dma_semaphore, #tpu.memory_space<semaphore_mem>>
        tpu.wait_indirect_dma semaphore(%dma_wait3A_179 : memref<!tpu.dma_semaphore, #tpu.memory_space<semaphore_mem>>) src(%dma_wait3A_177 : memref<10000x128xf32, #tpu.memory_space<hbm>>) dst(%dma_wait3A_171 : memref<80x128xf32, #tpu.memory_space<vmem>>)
        %dma_start3A_180 = arith.constant 0 : i32
        %dma_start3A_181 = arith.constant 0 : i32
        %dma_start3A_182 = tpu.memref_slice %arg10[%rem3A_167, %dma_start3A_180, %dma_start3A_181] : memref<4x80x128xf32, #tpu.memory_space<vmem>> -> memref<1x80x128xf32, #tpu.memory_space<vmem>>
        %dma_start3A_183 = tpu.memref_squeeze %dma_start3A_182 : memref<1x80x128xf32, #tpu.memory_space<vmem>> -> memref<80x128xf32, #tpu.memory_space<vmem>>
        %dma_start3A_184 = arith.constant 0 : i32
        %dma_start3A_185 = tpu.memref_slice %arg9[%scan3A_133, %dma_start3A_184] : memref<25x80xi32, #tpu.memory_space<vmem>> -> memref<1x80xi32, #tpu.memory_space<vmem>>
        %dma_start3A_186 = tpu.memref_squeeze %dma_start3A_185 : memref<1x80xi32, #tpu.memory_space<vmem>> -> memref<80xi32, #tpu.memory_space<vmem>>
        %dma_start3A_187 = arith.constant 0 : i32
        %dma_start3A_188 = arith.constant 0 : i32
        %dma_start3A_189 = tpu.memref_slice %arg7[%dma_start3A_187, %dma_start3A_188] : memref<10000x128xf32, #tpu.memory_space<vmem_shared>> -> memref<10000x128xf32, #tpu.memory_space<vmem_shared>>
        %dma_start3A_190 = tpu.memref_slice %arg12[%rem3A_167] : memref<4x!tpu.dma_semaphore, #tpu.memory_space<semaphore_mem>> -> memref<1x!tpu.dma_semaphore, #tpu.memory_space<semaphore_mem>>
        %dma_start3A_191 = tpu.memref_squeeze %dma_start3A_190 : memref<1x!tpu.dma_semaphore, #tpu.memory_space<semaphore_mem>> -> memref<!tpu.dma_semaphore, #tpu.memory_space<semaphore_mem>>
        tpu.enqueue_indirect_dma source(%dma_start3A_183 : memref<80x128xf32, #tpu.memory_space<vmem>>) target(%dma_start3A_189 : memref<10000x128xf32, #tpu.memory_space<vmem_shared>>) offsets(%dma_start3A_186 : memref<80xi32, #tpu.memory_space<vmem>>) semaphore(%dma_start3A_191 : memref<!tpu.dma_semaphore, #tpu.memory_space<semaphore_mem>>) {add = true}
      }
      %scan3A_120 = arith.constant 21 : i32
      %scan3A_121 = arith.constant 0 : i32
      %scan3A_122 = arith.constant 22 : i32
      %scan3A_123 = arith.constant 3 : i32
      %scan3A_124 = arith.addi %scan3A_122, %scan3A_123 : i32
      %scan3A_125 = arith.constant 1 : i32
      scf.for %scan3A_133 = %scan3A_122 to %scan3A_124 step %scan3A_125  : i32 {
        %rem3A = arith.constant 4 : i32
        %rem3A_134 = arith.remsi %scan3A_133, %rem3A : i32
        %dma_wait3A_135 = arith.constant 0 : i32
        %dma_wait3A_136 = arith.constant 0 : i32
        %dma_wait3A_137 = tpu.memref_slice %arg10[%rem3A_134, %dma_wait3A_135, %dma_wait3A_136] : memref<4x80x128xf32, #tpu.memory_space<vmem>> -> memref<1x80x128xf32, #tpu.memory_space<vmem>>
        %dma_wait3A_138 = tpu.memref_squeeze %dma_wait3A_137 : memref<1x80x128xf32, #tpu.memory_space<vmem>> -> memref<80x128xf32, #tpu.memory_space<vmem>>
        %dma_wait3A_139 = arith.constant 0 : i32
        %dma_wait3A_140 = tpu.memref_slice %arg8[%scan3A_133, %dma_wait3A_139] : memref<25x80xi32, #tpu.memory_space<vmem>> -> memref<1x80xi32, #tpu.memory_space<vmem>>
        %dma_wait3A_141 = tpu.memref_squeeze %dma_wait3A_140 : memref<1x80xi32, #tpu.memory_space<vmem>> -> memref<80xi32, #tpu.memory_space<vmem>>
        %dma_wait3A_142 = arith.constant 0 : i32
        %dma_wait3A_143 = arith.constant 0 : i32
        %dma_wait3A_144 = tpu.memref_slice %arg2[%dma_wait3A_142, %dma_wait3A_143] : memref<10000x128xf32, #tpu.memory_space<hbm>> -> memref<10000x128xf32, #tpu.memory_space<hbm>>
        %dma_wait3A_145 = tpu.memref_slice %arg11[%rem3A_134] : memref<4x!tpu.dma_semaphore, #tpu.memory_space<semaphore_mem>> -> memref<1x!tpu.dma_semaphore, #tpu.memory_space<semaphore_mem>>
        %dma_wait3A_146 = tpu.memref_squeeze %dma_wait3A_145 : memref<1x!tpu.dma_semaphore, #tpu.memory_space<semaphore_mem>> -> memref<!tpu.dma_semaphore, #tpu.memory_space<semaphore_mem>>
        tpu.wait_indirect_dma semaphore(%dma_wait3A_146 : memref<!tpu.dma_semaphore, #tpu.memory_space<semaphore_mem>>) src(%dma_wait3A_144 : memref<10000x128xf32, #tpu.memory_space<hbm>>) dst(%dma_wait3A_138 : memref<80x128xf32, #tpu.memory_space<vmem>>)
        %dma_start3A_147 = arith.constant 0 : i32
        %dma_start3A_148 = arith.constant 0 : i32
        %dma_start3A_149 = tpu.memref_slice %arg10[%rem3A_134, %dma_start3A_147, %dma_start3A_148] : memref<4x80x128xf32, #tpu.memory_space<vmem>> -> memref<1x80x128xf32, #tpu.memory_space<vmem>>
        %dma_start3A_150 = tpu.memref_squeeze %dma_start3A_149 : memref<1x80x128xf32, #tpu.memory_space<vmem>> -> memref<80x128xf32, #tpu.memory_space<vmem>>
        %dma_start3A_151 = arith.constant 0 : i32
        %dma_start3A_152 = tpu.memref_slice %arg9[%scan3A_133, %dma_start3A_151] : memref<25x80xi32, #tpu.memory_space<vmem>> -> memref<1x80xi32, #tpu.memory_space<vmem>>
        %dma_start3A_153 = tpu.memref_squeeze %dma_start3A_152 : memref<1x80xi32, #tpu.memory_space<vmem>> -> memref<80xi32, #tpu.memory_space<vmem>>
        %dma_start3A_154 = arith.constant 0 : i32
        %dma_start3A_155 = arith.constant 0 : i32
        %dma_start3A_156 = tpu.memref_slice %arg7[%dma_start3A_154, %dma_start3A_155] : memref<10000x128xf32, #tpu.memory_space<vmem_shared>> -> memref<10000x128xf32, #tpu.memory_space<vmem_shared>>
        %dma_start3A_157 = tpu.memref_slice %arg12[%rem3A_134] : memref<4x!tpu.dma_semaphore, #tpu.memory_space<semaphore_mem>> -> memref<1x!tpu.dma_semaphore, #tpu.memory_space<semaphore_mem>>
        %dma_start3A_158 = tpu.memref_squeeze %dma_start3A_157 : memref<1x!tpu.dma_semaphore, #tpu.memory_space<semaphore_mem>> -> memref<!tpu.dma_semaphore, #tpu.memory_space<semaphore_mem>>
        tpu.enqueue_indirect_dma source(%dma_start3A_150 : memref<80x128xf32, #tpu.memory_space<vmem>>) target(%dma_start3A_156 : memref<10000x128xf32, #tpu.memory_space<vmem_shared>>) offsets(%dma_start3A_153 : memref<80xi32, #tpu.memory_space<vmem>>) semaphore(%dma_start3A_158 : memref<!tpu.dma_semaphore, #tpu.memory_space<semaphore_mem>>) {add = true}
      }
      %scan3A_126 = arith.constant 3 : i32
      %scan3A_127 = arith.constant 0 : i32
      %scan3A_128 = arith.constant 0 : i32
      %scan3A_129 = arith.constant 4 : i32
      %scan3A_130 = arith.addi %scan3A_128, %scan3A_129 : i32
      %scan3A_131 = arith.constant 1 : i32
      scf.for %scan3A_133 = %scan3A_128 to %scan3A_130 step %scan3A_131  : i32 {
        %add3A_134 = arith.constant 21 : i32
        %add3A_135 = arith.addi %add3A_134, %scan3A_133 : i32
        %rem3A = arith.constant 4 : i32
        %rem3A_136 = arith.remsi %add3A_135, %rem3A : i32
        %dma_wait3A_137 = arith.constant 0 : i32
        %dma_wait3A_138 = arith.constant 0 : i32
        %dma_wait3A_139 = tpu.memref_slice %arg10[%rem3A_136, %dma_wait3A_137, %dma_wait3A_138] : memref<4x80x128xf32, #tpu.memory_space<vmem>> -> memref<1x80x128xf32, #tpu.memory_space<vmem>>
        %dma_wait3A_140 = tpu.memref_squeeze %dma_wait3A_139 : memref<1x80x128xf32, #tpu.memory_space<vmem>> -> memref<80x128xf32, #tpu.memory_space<vmem>>
        %dma_wait3A_141 = arith.constant 0 : i32
        %dma_wait3A_142 = tpu.memref_slice %arg9[%add3A_135, %dma_wait3A_141] : memref<25x80xi32, #tpu.memory_space<vmem>> -> memref<1x80xi32, #tpu.memory_space<vmem>>
        %dma_wait3A_143 = tpu.memref_squeeze %dma_wait3A_142 : memref<1x80xi32, #tpu.memory_space<vmem>> -> memref<80xi32, #tpu.memory_space<vmem>>
        %dma_wait3A_144 = arith.constant 0 : i32
        %dma_wait3A_145 = arith.constant 0 : i32
        %dma_wait3A_146 = tpu.memref_slice %arg7[%dma_wait3A_144, %dma_wait3A_145] : memref<10000x128xf32, #tpu.memory_space<vmem_shared>> -> memref<10000x128xf32, #tpu.memory_space<vmem_shared>>
        %dma_wait3A_147 = tpu.memref_slice %arg12[%rem3A_136] : memref<4x!tpu.dma_semaphore, #tpu.memory_space<semaphore_mem>> -> memref<1x!tpu.dma_semaphore, #tpu.memory_space<semaphore_mem>>
        %dma_wait3A_148 = tpu.memref_squeeze %dma_wait3A_147 : memref<1x!tpu.dma_semaphore, #tpu.memory_space<semaphore_mem>> -> memref<!tpu.dma_semaphore, #tpu.memory_space<semaphore_mem>>
        tpu.wait_indirect_dma semaphore(%dma_wait3A_148 : memref<!tpu.dma_semaphore, #tpu.memory_space<semaphore_mem>>) src(%dma_wait3A_140 : memref<80x128xf32, #tpu.memory_space<vmem>>) dst(%dma_wait3A_146 : memref<10000x128xf32, #tpu.memory_space<vmem_shared>>)
      }
      %scan3A_132 = arith.constant 4 : i32
    }
    %scan3A_11 = arith.constant 5 : i32
    %barrier3A_12 = arith.constant 0 : index
    tpu.barrier barrier_id(%barrier3A_12)
    %mul3A_13 = arith.constant 624 : i32
    %mul3A_14 = arith.muli %arg1, %mul3A_13 : i32
    "tpu.region"() ({
      %run_scoped3A = tpu.sem_alloc : memref<!tpu.dma_semaphore, #tpu.memory_space<semaphore_mem>>
      %dma_start3A = arith.constant 0 : i32
      %dma_start3A_20 = tpu.memref_slice %arg6[%arg0, %mul3A_14, %dma_start3A] : memref<2x10000x128xf32, #tpu.memory_space<hbm>> -> memref<1x624x128xf32, #tpu.memory_space<hbm>>
      %dma_start3A_21 = tpu.memref_squeeze %dma_start3A_20 : memref<1x624x128xf32, #tpu.memory_space<hbm>> -> memref<624x128xf32, #tpu.memory_space<hbm>>
      %dma_start3A_22 = arith.constant 0 : i32
      %dma_start3A_23 = tpu.memref_slice %arg7[%mul3A_14, %dma_start3A_22] : memref<10000x128xf32, #tpu.memory_space<vmem_shared>> -> memref<624x128xf32, #tpu.memory_space<vmem_shared>>
      tpu.enqueue_dma source(%dma_start3A_23 : memref<624x128xf32, #tpu.memory_space<vmem_shared>>) target(%dma_start3A_21 : memref<624x128xf32, #tpu.memory_space<hbm>>) target_semaphore(%run_scoped3A : memref<!tpu.dma_semaphore, #tpu.memory_space<semaphore_mem>>)
      %dma_wait3A = arith.constant 0 : i32
      %dma_wait3A_24 = tpu.memref_slice %arg6[%arg0, %mul3A_14, %dma_wait3A] : memref<2x10000x128xf32, #tpu.memory_space<hbm>> -> memref<1x624x128xf32, #tpu.memory_space<hbm>>
      %dma_wait3A_25 = tpu.memref_squeeze %dma_wait3A_24 : memref<1x624x128xf32, #tpu.memory_space<hbm>> -> memref<624x128xf32, #tpu.memory_space<hbm>>
      %dma_wait3A_26 = arith.constant 0 : i32
      %dma_wait3A_27 = tpu.memref_slice %arg7[%mul3A_14, %dma_wait3A_26] : memref<10000x128xf32, #tpu.memory_space<vmem_shared>> -> memref<624x128xf32, #tpu.memory_space<vmem_shared>>
      tpu.wait_dma2 semaphore(%run_scoped3A : memref<!tpu.dma_semaphore, #tpu.memory_space<semaphore_mem>>) src(%dma_wait3A_27 : memref<624x128xf32, #tpu.memory_space<vmem_shared>>) dst(%dma_wait3A_25 : memref<624x128xf32, #tpu.memory_space<hbm>>)
      tpu.yield
    }) : () -> ()
    %eq3A_15 = arith.constant 15 : i32
    %eq3A_16 = arith.cmpi eq, %arg1, %eq3A_15 : i32
    %convert_element_type3A_17 = arith.extui %eq3A_16 : i1 to i32
    %cond3A_18 = arith.constant 0 : i32
    %cond3A_19 = arith.cmpi ne, %convert_element_type3A_17, %cond3A_18 : i32
    scf.if %cond3A_19 {
      "tpu.region"() ({
        %run_scoped3A = tpu.sem_alloc : memref<!tpu.dma_semaphore, #tpu.memory_space<semaphore_mem>>
        %dma_start3A = arith.constant 9984 : i32
        %dma_start3A_20 = arith.constant 0 : i32
        %dma_start3A_21 = tpu.memref_slice %arg6[%arg0, %dma_start3A, %dma_start3A_20] : memref<2x10000x128xf32, #tpu.memory_space<hbm>> -> memref<1x16x128xf32, #tpu.memory_space<hbm>>
        %dma_start3A_22 = tpu.memref_squeeze %dma_start3A_21 : memref<1x16x128xf32, #tpu.memory_space<hbm>> -> memref<16x128xf32, #tpu.memory_space<hbm>>
        %dma_start3A_23 = arith.constant 9984 : i32
        %dma_start3A_24 = arith.constant 0 : i32
        %dma_start3A_25 = tpu.memref_slice %arg7[%dma_start3A_23, %dma_start3A_24] : memref<10000x128xf32, #tpu.memory_space<vmem_shared>> -> memref<16x128xf32, #tpu.memory_space<vmem_shared>>
        tpu.enqueue_dma source(%dma_start3A_25 : memref<16x128xf32, #tpu.memory_space<vmem_shared>>) target(%dma_start3A_22 : memref<16x128xf32, #tpu.memory_space<hbm>>) target_semaphore(%run_scoped3A : memref<!tpu.dma_semaphore, #tpu.memory_space<semaphore_mem>>)
        %dma_wait3A = arith.constant 9984 : i32
        %dma_wait3A_26 = arith.constant 0 : i32
        %dma_wait3A_27 = tpu.memref_slice %arg6[%arg0, %dma_wait3A, %dma_wait3A_26] : memref<2x10000x128xf32, #tpu.memory_space<hbm>> -> memref<1x16x128xf32, #tpu.memory_space<hbm>>
        %dma_wait3A_28 = tpu.memref_squeeze %dma_wait3A_27 : memref<1x16x128xf32, #tpu.memory_space<hbm>> -> memref<16x128xf32, #tpu.memory_space<hbm>>
        %dma_wait3A_29 = arith.constant 9984 : i32
        %dma_wait3A_30 = arith.constant 0 : i32
        %dma_wait3A_31 = tpu.memref_slice %arg7[%dma_wait3A_29, %dma_wait3A_30] : memref<10000x128xf32, #tpu.memory_space<vmem_shared>> -> memref<16x128xf32, #tpu.memory_space<vmem_shared>>
        tpu.wait_dma2 semaphore(%run_scoped3A : memref<!tpu.dma_semaphore, #tpu.memory_space<semaphore_mem>>) src(%dma_wait3A_31 : memref<16x128xf32, #tpu.memory_space<vmem_shared>>) dst(%dma_wait3A_28 : memref<16x128xf32, #tpu.memory_space<hbm>>)
        tpu.yield
      }) : () -> ()
    } else {
    }
    return
  }
}

module attributes {stable_mosaic.version = 14 : i64} {
  func.func @_mm_body(%arg0: memref<10000x128xf32, #tpu.memory_space<vmem>>, %arg1: memref<128x128xf32, #tpu.memory_space<vmem>>, %arg2: memref<10000x128xf32, #tpu.memory_space<vmem>>) attributes {dimension_semantics = [], scalar_prefetch = 0 : i64, scratch_operands = 0 : i64, tpu.core_type = #tpu.core_type<tc>} {
    %get3A = arith.constant 0 : index
    %get3A_0 = arith.constant 0 : index
    %get3A_1 = vector.load %arg0[%get3A, %get3A_0] : memref<10000x128xf32, #tpu.memory_space<vmem>>, vector<10000x128xf32>
    %get3A_2 = arith.constant 0 : index
    %get3A_3 = arith.constant 0 : index
    %get3A_4 = vector.load %arg1[%get3A_2, %get3A_3] : memref<128x128xf32, #tpu.memory_space<vmem>>, vector<128x128xf32>
    %dot_general3A = arith.constant dense<0.000000e+00> : vector<10000x128xf32>
    %dot_general3A_5 = tpu.matmul %get3A_1, %get3A_4, %dot_general3A {dimension_numbers = #tpu.dot_dimension_numbers<[1], [0], [0], [1], [0, 0, 1, 1], [], []>, transpose_lhs_hint = false} : vector<10000x128xf32>, vector<128x128xf32>, vector<10000x128xf32> -> vector<10000x128xf32>
    %swap3A = arith.constant 0 : index
    %swap3A_6 = arith.constant 0 : index
    %swap3A_7 = vector.load %arg2[%swap3A, %swap3A_6] : memref<10000x128xf32, #tpu.memory_space<vmem>>, vector<10000x128xf32>
    tpu.vector_store %arg2[%swap3A, %swap3A_6], %dot_general3A_5 {strides = array<i32>} : memref<10000x128xf32, #tpu.memory_space<vmem>>, vector<10000x128xf32>,
    return
  }
}

module attributes {stable_mosaic.version = 14 : i64} {
  func.func @_scale_body(%arg0: memref<10000x128xf32, #tpu.memory_space<vmem>>, %arg1: memref<2x10000x128xf32, #tpu.memory_space<vmem>>, %arg2: memref<10000x128xf32, #tpu.memory_space<vmem>>) attributes {dimension_semantics = [], scalar_prefetch = 0 : i64, scratch_operands = 0 : i64, tpu.core_type = #tpu.core_type<tc>} {
    %get3A = arith.constant 0 : index
    %get3A_0 = arith.constant 0 : index
    %get3A_1 = vector.load %arg0[%get3A, %get3A_0] : memref<10000x128xf32, #tpu.memory_space<vmem>>, vector<10000x128xf32>
    %get3A_2 = arith.constant 0 : index
    %get3A_3 = arith.constant 0 : index
    %get3A_4 = arith.constant 0 : index
    %get3A_5 = vector.load %arg1[%get3A_2, %get3A_3, %get3A_4] : memref<2x10000x128xf32, #tpu.memory_space<vmem>>, vector<1x10000x1xf32>
    %get3A_6 = vector.shape_cast %get3A_5 : vector<1x10000x1xf32> to vector<10000x1xf32>
    %get3A_7 = arith.constant 1 : index
    %get3A_8 = arith.constant 0 : index
    %get3A_9 = arith.constant 0 : index
    %get3A_10 = vector.load %arg1[%get3A_7, %get3A_8, %get3A_9] : memref<2x10000x128xf32, #tpu.memory_space<vmem>>, vector<1x10000x1xf32>
    %get3A_11 = vector.shape_cast %get3A_10 : vector<1x10000x1xf32> to vector<10000x1xf32>
    %add3A = arith.addf %get3A_6, %get3A_11 : vector<10000x1xf32>
    %add3A_12 = arith.constant 1.000000e+00 : f32
    %add3A_13 = vector.broadcast %add3A_12 : f32 to vector<10000x1xf32>
    %add3A_14 = arith.addf %add3A, %add3A_13 : vector<10000x1xf32>
    %rsqrt3A = math.rsqrt %add3A_14 : vector<10000x1xf32>
    %mul3A = vector.broadcast %rsqrt3A : vector<10000x1xf32> to vector<10000x128xf32>
    %mul3A_15 = arith.mulf %get3A_1, %mul3A : vector<10000x128xf32>
    %swap3A = arith.constant 0 : index
    %swap3A_16 = arith.constant 0 : index
    %swap3A_17 = vector.load %arg2[%swap3A, %swap3A_16] : memref<10000x128xf32, #tpu.memory_space<vmem>>, vector<10000x128xf32>
    tpu.vector_store %arg2[%swap3A, %swap3A_16], %mul3A_15 {strides = array<i32>} : memref<10000x128xf32, #tpu.memory_space<vmem>>, vector<10000x128xf32>,
    return
  }
}

module attributes {stable_mosaic.version = 14 : i64} {
  func.func @_mid_body(%arg0: memref<2x10000x128xf32, #tpu.memory_space<vmem>>, %arg1: memref<2x10000x128xf32, #tpu.memory_space<vmem>>, %arg2: memref<128x128xf32, #tpu.memory_space<vmem>>, %arg3: memref<1x128xf32, #tpu.memory_space<vmem>>, %arg4: memref<10000x128xf32, #tpu.memory_space<vmem>>) attributes {dimension_semantics = [], scalar_prefetch = 0 : i64, scratch_operands = 0 : i64, tpu.core_type = #tpu.core_type<tc>} {
    %get3A = arith.constant 0 : index
    %get3A_0 = arith.constant 0 : index
    %get3A_1 = arith.constant 0 : index
    %get3A_2 = vector.load %arg1[%get3A, %get3A_0, %get3A_1] : memref<2x10000x128xf32, #tpu.memory_space<vmem>>, vector<1x10000x1xf32>
    %get3A_3 = vector.shape_cast %get3A_2 : vector<1x10000x1xf32> to vector<10000x1xf32>
    %get3A_4 = arith.constant 1 : index
    %get3A_5 = arith.constant 0 : index
    %get3A_6 = arith.constant 0 : index
    %get3A_7 = vector.load %arg1[%get3A_4, %get3A_5, %get3A_6] : memref<2x10000x128xf32, #tpu.memory_space<vmem>>, vector<1x10000x1xf32>
    %get3A_8 = vector.shape_cast %get3A_7 : vector<1x10000x1xf32> to vector<10000x1xf32>
    %add3A = arith.addf %get3A_3, %get3A_8 : vector<10000x1xf32>
    %add3A_9 = arith.constant 1.000000e+00 : f32
    %add3A_10 = vector.broadcast %add3A_9 : f32 to vector<10000x1xf32>
    %add3A_11 = arith.addf %add3A, %add3A_10 : vector<10000x1xf32>
    %rsqrt3A = math.rsqrt %add3A_11 : vector<10000x1xf32>
    %get3A_12 = arith.constant 0 : index
    %get3A_13 = arith.constant 0 : index
    %get3A_14 = arith.constant 0 : index
    %get3A_15 = vector.load %arg0[%get3A_12, %get3A_13, %get3A_14] : memref<2x10000x128xf32, #tpu.memory_space<vmem>>, vector<1x10000x128xf32>
    %get3A_16 = vector.shape_cast %get3A_15 : vector<1x10000x128xf32> to vector<10000x128xf32>
    %get3A_17 = arith.constant 1 : index
    %get3A_18 = arith.constant 0 : index
    %get3A_19 = arith.constant 0 : index
    %get3A_20 = vector.load %arg0[%get3A_17, %get3A_18, %get3A_19] : memref<2x10000x128xf32, #tpu.memory_space<vmem>>, vector<1x10000x128xf32>
    %get3A_21 = vector.shape_cast %get3A_20 : vector<1x10000x128xf32> to vector<10000x128xf32>
    %add3A_22 = arith.addf %get3A_16, %get3A_21 : vector<10000x128xf32>
    %mul3A = vector.broadcast %rsqrt3A : vector<10000x1xf32> to vector<10000x128xf32>
    %mul3A_23 = arith.mulf %add3A_22, %mul3A : vector<10000x128xf32>
    %get3A_24 = arith.constant 0 : index
    %get3A_25 = arith.constant 0 : index
    %get3A_26 = vector.load %arg3[%get3A_24, %get3A_25] : memref<1x128xf32, #tpu.memory_space<vmem>>, vector<1x128xf32>
    %add3A_27 = vector.broadcast %get3A_26 : vector<1x128xf32> to vector<10000x128xf32>
    %add3A_28 = arith.addf %mul3A_23, %add3A_27 : vector<10000x128xf32>
    %get3A_29 = arith.constant 0 : index
    %get3A_30 = arith.constant 0 : index
    %get3A_31 = vector.load %arg2[%get3A_29, %get3A_30] : memref<128x128xf32, #tpu.memory_space<vmem>>, vector<128x128xf32>
    %dot_general3A = arith.constant dense<0.000000e+00> : vector<10000x128xf32>
    %dot_general3A_32 = tpu.matmul %add3A_28, %get3A_31, %dot_general3A {dimension_numbers = #tpu.dot_dimension_numbers<[1], [0], [0], [1], [0, 0, 1, 1], [], []>, transpose_lhs_hint = false} : vector<10000x128xf32>, vector<128x128xf32>, vector<10000x128xf32> -> vector<10000x128xf32>
    %mul3A_33 = vector.broadcast %rsqrt3A : vector<10000x1xf32> to vector<10000x128xf32>
    %mul3A_34 = arith.mulf %dot_general3A_32, %mul3A_33 : vector<10000x128xf32>
    %swap3A = arith.constant 0 : index
    %swap3A_35 = arith.constant 0 : index
    %swap3A_36 = vector.load %arg4[%swap3A, %swap3A_35] : memref<10000x128xf32, #tpu.memory_space<vmem>>, vector<10000x128xf32>
    tpu.vector_store %arg4[%swap3A, %swap3A_35], %mul3A_34 {strides = array<i32>} : memref<10000x128xf32, #tpu.memory_space<vmem>>, vector<10000x128xf32>,
    return
  }
}

module attributes {stable_mosaic.version = 14 : i64} {
  func.func @_post_body(%arg0: memref<2x10000x128xf32, #tpu.memory_space<vmem>>, %arg1: memref<2x10000x128xf32, #tpu.memory_space<vmem>>, %arg2: memref<1x128xf32, #tpu.memory_space<vmem>>, %arg3: memref<10000x128xf32, #tpu.memory_space<vmem>>) attributes {dimension_semantics = [], scalar_prefetch = 0 : i64, scratch_operands = 0 : i64, tpu.core_type = #tpu.core_type<tc>} {
    %get3A = arith.constant 0 : index
    %get3A_0 = arith.constant 0 : index
    %get3A_1 = arith.constant 0 : index
    %get3A_2 = vector.load %arg0[%get3A, %get3A_0, %get3A_1] : memref<2x10000x128xf32, #tpu.memory_space<vmem>>, vector<1x10000x128xf32>
    %get3A_3 = vector.shape_cast %get3A_2 : vector<1x10000x128xf32> to vector<10000x128xf32>
    %get3A_4 = arith.constant 1 : index
    %get3A_5 = arith.constant 0 : index
    %get3A_6 = arith.constant 0 : index
    %get3A_7 = vector.load %arg0[%get3A_4, %get3A_5, %get3A_6] : memref<2x10000x128xf32, #tpu.memory_space<vmem>>, vector<1x10000x128xf32>
    %get3A_8 = vector.shape_cast %get3A_7 : vector<1x10000x128xf32> to vector<10000x128xf32>
    %add3A = arith.addf %get3A_3, %get3A_8 : vector<10000x128xf32>
    %get3A_9 = arith.constant 0 : index
    %get3A_10 = arith.constant 0 : index
    %get3A_11 = arith.constant 0 : index
    %get3A_12 = vector.load %arg1[%get3A_9, %get3A_10, %get3A_11] : memref<2x10000x128xf32, #tpu.memory_space<vmem>>, vector<1x10000x1xf32>
    %get3A_13 = vector.shape_cast %get3A_12 : vector<1x10000x1xf32> to vector<10000x1xf32>
    %get3A_14 = arith.constant 1 : index
    %get3A_15 = arith.constant 0 : index
    %get3A_16 = arith.constant 0 : index
    %get3A_17 = vector.load %arg1[%get3A_14, %get3A_15, %get3A_16] : memref<2x10000x128xf32, #tpu.memory_space<vmem>>, vector<1x10000x1xf32>
    %get3A_18 = vector.shape_cast %get3A_17 : vector<1x10000x1xf32> to vector<10000x1xf32>
    %add3A_19 = arith.addf %get3A_13, %get3A_18 : vector<10000x1xf32>
    %add3A_20 = arith.constant 1.000000e+00 : f32
    %add3A_21 = vector.broadcast %add3A_20 : f32 to vector<10000x1xf32>
    %add3A_22 = arith.addf %add3A_19, %add3A_21 : vector<10000x1xf32>
    %rsqrt3A = math.rsqrt %add3A_22 : vector<10000x1xf32>
    %mul3A = vector.broadcast %rsqrt3A : vector<10000x1xf32> to vector<10000x128xf32>
    %mul3A_23 = arith.mulf %add3A, %mul3A : vector<10000x128xf32>
    %get3A_24 = arith.constant 0 : index
    %get3A_25 = arith.constant 0 : index
    %get3A_26 = vector.load %arg2[%get3A_24, %get3A_25] : memref<1x128xf32, #tpu.memory_space<vmem>>, vector<1x128xf32>
    %add3A_27 = vector.broadcast %get3A_26 : vector<1x128xf32> to vector<10000x128xf32>
    %add3A_28 = arith.addf %mul3A_23, %add3A_27 : vector<10000x128xf32>
    %swap3A = arith.constant 0 : index
    %swap3A_29 = arith.constant 0 : index
    %swap3A_30 = vector.load %arg3[%swap3A, %swap3A_29] : memref<10000x128xf32, #tpu.memory_space<vmem>>, vector<10000x128xf32>
    tpu.vector_store %arg3[%swap3A, %swap3A_29], %add3A_28 {strides = array<i32>} : memref<10000x128xf32, #tpu.memory_space<vmem>>, vector<10000x128xf32>,
    return
  }
}

</mosaic_0001>

<sc_bundles>
// kernel: kernel.12.cloned.1.call-start
scs
__scs_entry_jumppad:
0x0: {  	(pc) =	sbr.rel $0x88, $3  }
0x1: {  	(tag) =	ssettag $0x0;
	lr =	simm.s32 $0x1  }
0x2: {  	[smem:$0x3F9A] =	sst lr;
	_ =	strace $0xD0000000  }
0x3: {  	_ = 	snop  }
0x4: {  	_ = 	snop  }
0x5: {  	_ = 	snop  }
0x6: {  	_ = 	snop  }
0x7: {  	_ = 	snop  }
__scs_overlays_trampoline_lowered:
0x8: {  	[smem:$0x3FA9] =	sst s0  }
0x9: {  	[smem:$0x3FAA] =	sst s1  }
0xa: {  	[smem:$0x3FAB] =	sst s2  }
0xb: {  	[smem:$0x3FAC] =	sst s3  }
0xc: {  	[smem:$0x3FAD] =	sst s4  }
0xd: {  	[smem:$0x3FAE] =	sst s5  }
0xe: {  	[smem:$0x3FAF] =	sst s6  }
0xf: {  	[smem:$0x3FB0] =	sst s7  }
0x10: {  	[smem:$0x3FB1] =	sst s8  }
0x11: {  	[smem:$0x3FB2] =	sst s9;
	s0 =	simm.s32 @!p0 $0x0  }
0x12: {  	s1 =	sld [smem:$0x3F98];
	s0 =	simm.s32 @p0 $0x1  }
0x13: {  	[smem:$0x3FB3] =	sst s0;
	s0 =	simm.s32 @!p1 $0x0  }
0x14: {  	s2 =	sld [smem:$0x3F97];
	s0 =	simm.s32 @p1 $0x1  }
0x15: {  	[smem:$0x3FB4] =	sst s0;
	s0 =	simm.s32 @!p2 $0x0  }
0x16: {  	s3 =	sld [smem:$0x3FDB];
	s0 =	simm.s32 @p2 $0x1  }
0x17: {  	s4 =	simm.s32 $0x1BF5;
	[smem:$0x3FB6] =	sst s0  }
0x18: {  	s0 =	sld [smem:$0x3F99];
	_ =	swait.ge [sflag:s4], $0x0  }
0x19: {  	s7 =	sld [smem:$0x3F9A]  }
0x1a: {  	s8 =	sadd.s32 $0xFFFFE003, lr  }
0x1b: {  	s9 =	sadd.s32 $0xFFFFFEF7, lr;
	s5 =	simm.s32 $0xFFFFFFFF;
	p2 =	slt.u32 s8, $0xFFFFF086  }
0x1c: {  	p1 =	slt.u32 s9, $0xF7A;
	s5 =	simm.s32 @!p2 $0x0  }
0x1d: {  	s5 =	simm.s32 @p1 $0x1;
	p0 =	seq.s32 s7, s2  }
0x1e: {  	s7 =	smul.u32 @!p0 $0xF7A, s2;
	p2 =	seq.s32 @!p0 s5, $0x0  }
0x1f: {  	s9 =	smul.u32 $0xF7A, s1;
	s8 =	simm.s32 @!p0 $0x1BF5;
	p2 =	por !p2, p0  }
0x20: {  	[sflag:s8] =	ssyncset.s32 @!p0 $0xFFFFF086;
	s6 =	sadd.s32 @!p0 s3, s7;
	s7 =	simm.s32 @!p0 $0x108  }
0x21: {  	s3 =	sadd.s32 s3, s9;
	s6 =	sadd.s32 @!p0 $0x88, s6;
	s7 =	simm.s32 @p2 $0x1082  }
0x22: {  	[simem:s7], [sflag:s8] =	dma.local @!p0 [hbm:s6], $0xF7A  }
0x23: {  	s9 =	sor.u32 $0xD0000000, s2;
	s6 =	simm.s32 $0x108;
	_ =	swait.ge @!p0 [sflag:s8], $0x0  }
0x24: {  	s3 =	sadd.s32 $0x88, s3;
	s6 =	simm.s32 @!p1 $0x1082;
	[sflag:s4] =	ssyncset.s32 $0xFFFFF086  }
0x25: {  	[simem:s6], [sflag:s4] =	dma.local [hbm:s3], $0xF7A  }
0x26: {  	[smem:$0x3F9A] =	sst s1;
	(tag) =	ssettag s2;
	_ =	strace s9  }
0x27: {  	s1 =	sld [smem:$0x3FAA]  }
0x28: {  	s2 =	sld [smem:$0x3FAB]  }
0x29: {  	s4 =	sld [smem:$0x3FAD]  }
0x2a: {  	p0 =	seq.s32 s5, $0x0;
	s5 =	sld [smem:$0x3FAE]  }
0x2b: {  	s6 =	sld [smem:$0x3FAF]  }
0x2c: {  	s7 =	sld [smem:$0x3FB0]  }
0x2d: {  	s3 =	simm.s32 $0x108;
	s8 =	sld [smem:$0x3FB1]  }
0x2e: {  	s3 =	simm.s32 @!p0 $0x1082;
	s9 =	sld [smem:$0x3FB2]  }
0x2f: {  	lr =	sadd.s32 s0, s3;
	s0 =	sld [smem:$0x3FA9]  }
0x30: {  	s3 =	sld [smem:$0x3FAC]  }
0x31: {  	[smem:$0x3FB5] =	sst s10  }
0x32: {  	s10 =	sld [smem:$0x3FB3];
	_ =	sdelay $0x3  }
0x33: {  	p0 =	seq.s32 s10, $0x1;
	s10 =	sld [smem:$0x3FB5];
	_ =	sdelay $0x3  }
0x34: {  	[smem:$0x3FB5] =	sst s10  }
0x35: {  	s10 =	sld [smem:$0x3FB4];
	_ =	sdelay $0x3  }
0x36: {  	p1 =	seq.s32 s10, $0x1;
	s10 =	sld [smem:$0x3FB5];
	_ =	sdelay $0x3  }
0x37: {  	[smem:$0x3FB5] =	sst s10  }
0x38: {  	s10 =	sld [smem:$0x3FB6]  }
0x39: {  	_ = 	snop;
	(pc) =	sbr.ind lr, $3  }
0x3a: {  	_ = 	snop  }
0x3b: {  	_ = 	snop  }
0x3c: {  	p2 =	seq.s32 s10, $0x1;
	s10 =	sld [smem:$0x3FB5]  }
0x3d: {  	_ =	shalt  }
0x3e: {  	_ =	shalt  }
0x3f: {  	_ =	shalt  }
0x40: {  	_ =	shalt  }
0x41: {  	_ =	shalt  }
0x42: {  	_ =	shalt  }
0x43: {  	_ =	shalt  }
0x44: {  	_ =	shalt  }
0x45: {  	_ =	shalt  }
0x46: {  	_ =	shalt  }
0x47: {  	_ =	shalt  }
0x48: {  	_ =	shalt  }
0x49: {  	_ =	shalt  }
0x4a: {  	_ =	shalt  }
0x4b: {  	_ =	shalt  }
0x4c: {  	_ =	shalt  }
0x4d: {  	_ =	shalt  }
0x4e: {  	_ =	shalt  }
0x4f: {  	_ =	shalt  }
0x50: {  	_ =	shalt  }
0x51: {  	_ =	shalt  }
0x52: {  	_ =	shalt  }
0x53: {  	_ =	shalt  }
0x54: {  	_ =	shalt  }
0x55: {  	_ =	shalt  }
0x56: {  	_ =	shalt  }
0x57: {  	_ =	shalt  }
0x58: {  	_ =	shalt  }
0x59: {  	_ =	shalt  }
0x5a: {  	_ =	shalt  }
0x5b: {  	_ =	shalt  }
0x5c: {  	_ =	shalt  }
0x5d: {  	_ =	shalt  }
0x5e: {  	_ =	shalt  }
0x5f: {  	_ =	shalt  }
0x60: {  	_ =	shalt  }
0x61: {  	_ =	shalt  }
0x62: {  	_ =	shalt  }
0x63: {  	_ =	shalt  }
0x64: {  	_ =	shalt  }
0x65: {  	_ =	shalt  }
0x66: {  	_ =	shalt  }
0x67: {  	_ =	shalt  }
0x68: {  	_ =	shalt  }
0x69: {  	_ =	shalt  }
0x6a: {  	_ =	shalt  }
0x6b: {  	_ =	shalt  }
0x6c: {  	_ =	shalt  }
0x6d: {  	_ =	shalt  }
0x6e: {  	_ =	shalt  }
0x6f: {  	_ =	shalt  }
0x70: {  	_ =	shalt  }
0x71: {  	_ =	shalt  }
0x72: {  	_ =	shalt  }
0x73: {  	_ =	shalt  }
0x74: {  	_ =	shalt  }
0x75: {  	_ =	shalt  }
0x76: {  	_ =	shalt  }
0x77: {  	_ =	shalt  }
0x78: {  	_ =	shalt  }
0x79: {  	_ =	shalt  }
0x7a: {  	_ =	shalt  }
0x7b: {  	_ =	shalt  }
0x7c: {  	_ =	shalt  }
0x7d: {  	_ =	shalt  }
0x7e: {  	_ =	shalt  }
0x7f: {  	_ =	shalt  }
0x80: {  	_ =	shalt  }
0x81: {  	_ =	shalt  }
0x82: {  	_ =	shalt  }
0x83: {  	_ =	shalt  }
0x84: {  	_ =	shalt  }
0x85: {  	_ =	shalt  }
0x86: {  	_ =	shalt  }
0x87: {  	_ =	shalt  }
.Lfunc_end0:
.L_simem_size_0:
called_computation.1_lowered:
.L_overlay_start_0:
0x88: {  	s2 =	sld [smem:$0x3FD9]  }
0x89: {  	s3 =	sld [smem:$0x3FFE];
	_ =	sdelay $0x1  }
0x8a: {  	s1 =	srdreg.scid  }
0x8b: {  	s0 =	sand.u32 $0x1, s1  }
0x8c: {  	s14 =	sshll.u32 s0, $0xA;
	s2 =	sadd.s32 s3, s2  }
0x8d: {  	s2 =	sadd.s32 s2, s14  }
0x8e: {  	[smem:$0x3FC1] =	sst s2  }
0x8f: {  	_ = 	snop  }
0x90: {  	s2 =	sld [smem:$0x3FD0];
	_ =	sdelay $0x2  }
0x91: {  	s15 =	simm.s32 $0xA;
	s4 =	simm.s32 $0x10  }
0x92: {  	[smem:s4], [sflag:s15] =	dma.local [hbm:s2], $0x1  }
0x93: {  	_ =	swait.eq [sflag:s15], $0x1  }
0x94: {  	[sflag:s15] =	ssyncset.done $0x0  }
0x95: {  	s16 =	sld [smem:$0x12];
	[sflag:s15] =	ssyncadd.s32 $0xFFFFFFFF  }
0x96: {  	s17 =	sld [smem:$0x13];
	(tm) =	ssettm $0x1  }
0x97: {  	s18 =	sld [smem:$0x3FFB];
	_ =	sdelay $0x3  }
0x98: {  	_ =	strace s18  }
0x99: {  	s4 =	sld [smem:$0x3FFC];
	_ =	sdelay $0x3  }
0x9a: {  	_ =	strace s4  }
0x9b: {  	s4 =	sld [smem:$0x3FFD];
	_ =	sdelay $0x3  }
0x9c: {  	_ =	strace s4  }
0x9d: {  	_ =	strace $0x8FFFFFFF  }
0x9e: {  	s19 =	sld [smem:$0x3FDB];
	_ =	sdelay $0x1  }
0x9f: {  	s5 =	simm.s32 $_scs_section_size  }
0xa0: {  	s6 =	simm.s32 $_size__tile_overlayer_lowered;
	s7 =	simm.s32 $_tile_overlayer_lowered  }
0xa1: {  	s22 =	simm.s32 $0x1BFF;
	s21 =	sshll.u32 s7, $0x1;
	s4 =	sadd.s32 s5, s19  }
0xa2: {  	s8 =	simm.s32 $0x0;
	s20 =	sshll.u32 s6, $0x1;
	s6 =	sadd.s32 s21, s4  }
0xa3: {  	[timem:s8], [sflag:s22] =	dma.local [hbm:s6], s20  }
0xa4: {  	_ =	swait.ge [sflag:s22], s20  }
0xa5: {  	s5 =	ssub.s32 $0x0, s20;
	[sflag:s22] =	ssyncset.done $0x0  }
0xa6: {  	[sflag:s22] =	ssyncadd.s32 s5;
	_ =	sdelay $0x1  }
0xa7: {  	s23 =	simm.s32 $0x1B8B  }
0xa8: {  	_ =	swait.ge [sflag:s23], $0x1  }
0xa9: {  	[sflag:s23] =	ssyncset.done $0x0  }
0xaa: {  	s25 =	simm.s32 $0x1B8E;
	s24 =	sld [smem:$0x3FFE];
	[sflag:s23] =	ssyncadd.s32 $0xFFFFFFFF  }
0xab: {  	s26 =	simm.s32 $execute0_lowered;
	[smem:$0x3FD2] =	sst s25  }
0xac: {  	s6 =	sshll.u32 s26, $0x1;
	_ =	strace $0x80000049;
	[dreg:$0x1] =	wrdreg $0xFFFFFFFF  }
0xad: {  	s28 =	simm.s32 $_size_execute0_lowered;
	s4 =	sadd.s32 s4, s6;
	[dreg:$0x0] =	wrdreg $0x0  }
0xae: {  	s6 =	sshll.u32 s28, $0x1;
	[dreg:$0x2] =	wrdreg s4  }
0xaf: {  	[dreg:$0x3] =	wrdreg s6  }
0xb0: {  	[dreg:$0x4] =	wrdreg $0xC0  }
0xb1: {  	_ =	task [dreg:s8], $0x5FFFF  }
0xb2: {  	[dreg:$0x1] =	wrdreg $0xFFFFFFFF  }
0xb3: {  	[dreg:$0x0] =	wrdreg $0x60  }
0xb4: {  	[dreg:$0x2] =	wrdreg s24  }
0xb5: {  	[dreg:$0x3] =	wrdreg s16  }
0xb6: {  	[dreg:$0x4] =	wrdreg s17  }
0xb7: {  	[dreg:$0x5] =	wrdreg $0x0  }
0xb8: {  	[dreg:$0x6] =	wrdreg $0x9  }
0xb9: {  	_ =	task.clear_ibuf [dreg:s8], $0x7FFFF;
	_ =	strace $0x90000049  }
0xba: {  	s29 =	simm.s32 $0x9;
	_ =	strace $0x8000004B  }
0xbb: {  	_ =	swait.ge [sflag:s29], $0x1  }
0xbc: {  	[sflag:s29] =	ssyncadd.s32 $0xFFFFFFFF  }
0xbd: {  	_ =	strace $0x9000004B  }
0xbe: {  	_ =	sfence  }
0xbf: {  	s30 =	sld [smem:$0x0];
	_ =	sdelay $0x2  }
0xc0: {  	s31 =	sshll.u32 s1, $0xD;
	s1 =	sshrl.u32 s1, $0x2  }
0xc1: {  	s3 =	sand.u32 $0x4000, s31;
	s1 =	sadd.s32 s1, s30  }
0xc2: {  	s0 =	sor.u32 s3, s0;
	s1 =	sshll.u32 s1, $0x11  }
0xc3: {  	s0 =	sor.u32 s1, s0  }
0xc4: {  	s0 =	sadd.s32 $0x8F2B, s0  }
0xc5: {  	[sflag:s0] =	ssyncadd.remote.s32 $0x1  }
0xc6: {  	_ =	sfence.sel $0xFFFF  }
0xc7: {  	[dreg:$0x0] =	wrdreg $0xFFFFFFFF;
	(pc) =	sbr.abs _section_cstart, $3  }
0xc8: {  	[dreg:$0x1] =	wrdreg $0xFFFFFFFF  }
0xc9: {  	_ =	task.clear_ibuf [dreg:s8], $0x2FFFF;
	_ =	strace $0x9FFFFFFF  }
0xca: {  	(tm) =	ssettm $0x7FFFFFFF  }
0xcb: {  	_ =	shalt  }
tec
execute0_lowered:
.L_overlay_start_1:
0x0: {  	(tag) =	ssettag $0x1  }
0x1: {  	s0 =	rddreg [dreg:$0x0]  }
0x2: {  	s3 =	rddreg [dreg:$0x3];
	s1 =	simm.s32 $0x0;
	s20 =	srdreg.scid  }
0x3: {  	s5 =	stileid.u32;
	s18 =	simm.s32 $0x9;
	s28 =	simm.s32 $0x1A880  }
0x4: {  	s30 =	simm.s32 $0x1D080;
	s31 =	simm.s32 $0x3;
	s19 =	simm.s32 $0x6  }
0x5: {  	s12 =	simm.s32 $0x7;
	s13 =	simm.s32 $0x8;
	[smem:$0x7FF] =	sst s1  }
0x6: {  	s1 =	sand.u32 $0x1, s20;
	s6 =	sadd.s32 $0x76E00, s0;
	s4 =	smul.u32 $0x4E000, s5  }
0x7: {  	s11 =	sadd.s32 $0x1A00, s0;
	s8 =	smul.u32 $0x2700, s5;
	s0 =	sadd.s32 $0x9E000, s0  }
0x8: {  	s10 =	smul.u32 $0x13800, s5;
	s22 =	sadd.s32 $0x138000, s3;
	s26 =	sshll.u32 s5, $0x6  }
0x9: {  	p1 =	seq.s32 s5, $0xF;
	s20 =	simm.s32 $0x13880;
	p2 =	sne.s32 s5, $0xF  }
0xa: {  	_ =	strace $0x8000004A;
	s2 =	ssub.s32 $0x2, s1;
	[dreg:$0x5] =	wrdreg s11  }
0xb: {  	s21 =	smul.u32 $0x138800, s1;
	s9 =	sshll.u32 s1, $0x4;
	[dreg:$0xd] =	wrdreg s26  }
0xc: {  	p0 =	sne.s32 s1, $0x0;
	[dreg:$0x7] =	wrdreg s22;
	s29 =	sshrl.u32 s22, $0x3  }
0xd: {  	s22 =	simm.s32 $0x50;
	s7 =	sshrl.u32 s2, $0x1;
	s4 =	sshrl.u32 s4, $0x2  }
0xe: {  	s9 =	sor.u32 s5, s9;
	s11 =	sadd.s32 s11, s8;
	s8 =	sadd.s32 s6, s8  }
0xf: {  	[dreg:$0x10] =	wrdreg s29;
	s2 =	ssub.s32 s2, s7;
	s4 =	sadd.s32 s4, s3  }
0x10: {  	[dreg:$0x6] =	wrdreg s11;
	s10 =	sadd.s32 s10, s21;
	s9 =	smul.u32 $0x5, s9  }
0x11: {  	s7 =	sshrl.u32 s21, $0x3;
	[dreg:$0x8] =	wrdreg s8;
	s21 =	simm.s32 $0x14880  }
0x12: {  	s23 =	sshrl.u32 s10, $0x3;
	s25 =	smax.u32 s2, $0x1;
	[dreg:$0x9] =	wrdreg s9  }
0x13: {  	s7 =	sadd.s32 s0, s7;
	s0 =	sadd.s32 s0, s23;
	[dreg:$0xc] =	wrdreg s25  }
0x14: {  	s10 =	simm.s32 $0x1;
	s24 =	sadd.s32 $0x27000, s7;
	[dreg:$0xa] =	wrdreg s0  }
0x15: {  	s2 =	simm.s32 $0x0;
	s7 =	sshrl.u32 s4, $0x3;
	[dreg:$0xb] =	wrdreg s24  }
0x16: {  	s23 =	simm.s32 $0x15880;
	s0 =	sor.u32 $0x1C09, s26;
	[dreg:$0xf] =	wrdreg s7  }
0x17: {  	s4 =	simm.s32 $0x4;
	s9 =	simm.s32 $0x5;
	[dreg:$0xe] =	wrdreg s0  }
.LBB2_1:
.Ltmp0:
0x18: {  	(pc) =	sbr.rel @p0 .LBB2_3-.Ltmp0, $2  }
0x19: {  	_ =	sdelay $0x2  }
0x1a: {  	[dreg:$0x11] =	wrdreg s2  }
0x1b: {  	s0 =	rddreg [dreg:$0x8]  }
0x1c: {  	s2 =	rddreg [dreg:$0xe]  }
0x1d: {  	[spmem:s7], [sflag:s2] =	dma.local [hbm:s0], $0x2700  }
.Ltmp1:
0x1e: {  	_ = 	snop;
	(pc) =	sbr.rel @p1 .LBB2_4-.Ltmp1, $4  }
.Ltmp2:
0x1f: {  	_ = 	snop;
	(pc) =	sbr.rel @!p1 .LBB2_5-.Ltmp2, $4  }
0x20: {  	_ =	swait.ge [sflag:s18], $0x2700  }
0x21: {  	[sflag:s18] =	ssyncset.done $0x0  }
0x22: {  	s1 =	smov.u32 s6;
	s0 =	smov.u32 s2;
	[sflag:s18] =	ssyncadd.s32 $0xFFFFD900  }
0x23: {  	_ = 	snop  }
.LBB2_3:
0x24: {  	s0 =	rddreg [dreg:$0xd]  }
.Ltmp3:
0x25: {  	s1 =	rddreg [dreg:$0x6];
	s0 =	sor.u32 $0x1C09, s0;
	(pc) =	sbr.rel @p2 .LBB2_5-.Ltmp3, $4  }
0x26: {  	[spmem:s7], [sflag:s0] =	dma.local [hbm:s1], $0x2700  }
0x27: {  	_ =	swait.ge [sflag:s18], $0x2700  }
0x28: {  	[sflag:s18] =	ssyncset.done $0x0  }
0x29: {  	s1 =	rddreg [dreg:$0x5];
	[sflag:s18] =	ssyncadd.s32 $0xFFFFD900  }
.LBB2_4:
0x2a: {  	s1 =	sadd.s32 $0x27000, s1;
	s2 =	rddreg [dreg:$0x10]  }
0x2b: {  	[spmem:s2], [sflag:s0] =	dma.local [hbm:s1], $0x100  }
0x2c: {  	_ =	swait.ge [sflag:s18], $0x100  }
0x2d: {  	[sflag:s18] =	ssyncset.done $0x0  }
0x2e: {  	[sflag:s18] =	ssyncadd.s32 $0xFFFFFF00  }
.LBB2_5:
0x2f: {  	[bflag:$0x0] =	sbarrier.arrive $0xFFFF;
	s16 =	simm.s32 $0x0  }
.LBB2_6:
0x30: {  	s0 =	rddreg [dreg:$0x9]  }
0x31: {  	s0 =	sadd.s32 s0, s16  }
0x32: {  	s1 =	rddreg [dreg:$0x1];
	s0 =	sshll.u32 s0, $0x9  }
0x33: {  	s2 =	simm.s32 $0x0;
	s1 =	sadd.s32 s1, s0  }
0x34: {  	[tilespmem:s20], [sflag:$0x9] =	stream.linear.gather [hbm4b:s1+s2], $0xC80, $0x38;
	[tilespmem:$0x1F880] =	vst v63  }
0x35: {  	_ =	swait.ge [sflag:s18], $0xC80  }
0x36: {  	[sflag:s18] =	ssyncset.done $0x0  }
0x37: {  	[sflag:s18] =	ssyncadd.s32 $0xFFFFF380  }
0x38: {  	s8 =	simm.s32 $0x0;
	s11 =	rddreg [dreg:$0x2]  }
0x39: {  	s1 =	sand.u32 $0x3, s8;
	s0 =	sadd.s32 s11, s0  }
0x3a: {  	[tilespmem:s21], [sflag:$0x9] =	stream.linear.gather [hbm4b:s0+s2], $0xC80, $0x38;
	[tilespmem:$0x1F880] =	vst v63  }
0x3b: {  	s1 =	sadd.s32 $0x0, s1;
	_ =	swait.ge [sflag:s18], $0xC80  }
0x3c: {  	s14 =	simm.s32 $0x13900;
	s1 =	sand.u32 $0xFC, s1;
	[sflag:s18] =	ssyncset.done $0x0  }
0x3d: {  	s15 =	simm.s32 $0x18080;
	s1 =	ssub.s32 $0x0, s1;
	[sflag:s18] =	ssyncadd.s32 $0xFFFFF380  }
0x3e: {  	[tilespmem:s23], [sflag:$0x1] =	stream.indirect.gather [hbm4b:s6+s22], $0x80, s20, s22, $0xb8;
	[tilespmem:$0x1F880] =	vst v63  }
0x3f: {  	s17 =	simm.s32 $0x13980;
	s24 =	simm.s32 $0x13A00;
	s1 =	sshll.u32 s1, $0x18  }
0x40: {  	[tilespmem:s15], [sflag:$0x2] =	stream.indirect.gather [hbm4b:s6+s22], $0x80, s14, s22, $0xb8;
	[tilespmem:$0x1F880] =	vst v63  }
0x41: {  	s25 =	simm.s32 $0x1;
	s26 =	simm.s32 $0x3;
	s7 =	sshra.s32 s1, $0x18  }
0x42: {  	[tilespmem:s28], [sflag:$0x3] =	stream.indirect.gather [hbm4b:s6+s22], $0x80, s17, s22, $0xb8;
	[tilespmem:$0x1F880] =	vst v63  }
0x43: {  	s1 =	simm.s32 $0x14900;
	s11 =	simm.s32 $0x0;
	s8 =	smul.u32 $0xA000, s7  }
0x44: {  	[tilespmem:s30], [sflag:$0x4] =	stream.indirect.gather [hbm4b:s6+s22], $0x80, s24, s22, $0xb8;
	[tilespmem:$0x1F880] =	vst v63  }
0x45: {  	s2 =	simm.s32 $0x13A80;
	s5 =	sadd.s32 $0x5, s7;
	_ =	swait.ge [sflag:s25], $0x2800  }
0x46: {  	s7 =	sadd.s32 $0x1, s7;
	s8 =	sshra.s32 s8, $0x2;
	[sflag:s25] =	ssyncset.done $0x0  }
0x47: {  	s29 =	sadd.s32 $0x15880, s8;
	s8 =	sand.u32 $0x3, s11;
	[sflag:s25] =	ssyncadd.s32 $0xFFFFD800  }
0x48: {  	[spmem:s3] =	stream.indirect.scatter.add.f32 [tilespmem:s23], [sflag:$0x5], $0x80, s21, s22, $0xb8;
	[tilespmem:$0x1F880] =	vst v63  }
0x49: {  	s14 =	simm.s32 $0x13B00;
	s15 =	simm.s32 $0x14980;
	_ =	swait.ge [sflag:s5], $0x2800  }
0x4a: {  	s17 =	simm.s32 $0x2;
	s25 =	sand.u32 $0x3, s25;
	[sflag:s5] =	ssyncset.done $0x0  }
0x4b: {  	s24 =	simm.s32 $0x1;
	s0 =	sadd.s32 $0x1, s25;
	[sflag:s5] =	ssyncadd.s32 $0xFFFFD800  }
.LBB2_7:
0x4c: {  	[tilespmem:s29], [sflag:s7] =	stream.indirect.gather [hbm4b:s6+s22], $0x80, s2, s22, $0xb8;
	[tilespmem:$0x1F880] =	vst v63  }
0x4d: {  	s5 =	smov.u32 s17  }
0x4e: {  	s17 =	smov.u32 s26;
	s2 =	smov.u32 s14;
	s11 =	sadd.s32 $0x1, s26  }
0x4f: {  	s7 =	sadd.s32 s8, s24;
	s8 =	smul.u32 $0xA000, s25;
	_ =	swait.ge [sflag:s0], $0x2800  }
0x50: {  	p3 =	sne.s32 s26, $0x15;
	s7 =	sand.u32 $0xFC, s7;
	[sflag:s0] =	ssyncset.done $0x0  }
0x51: {  	s14 =	sadd.s32 $0x80, s14;
	s7 =	ssub.s32 s24, s7;
	[sflag:s0] =	ssyncadd.s32 $0xFFFFD800  }
0x52: {  	s0 =	sshll.u32 s7, $0x18;
	s7 =	sshrl.u32 s8, $0x2;
	s8 =	smov.u32 s1  }
0x53: {  	s24 =	sadd.s32 $0x5, s25;
	s0 =	sshra.s32 s0, $0x18;
	s7 =	sadd.s32 $0x15880, s7  }
0x54: {  	s1 =	smov.u32 s15;
	s25 =	smul.u32 $0xA000, s0;
	s26 =	sadd.s32 $0x5, s0  }
0x55: {  	[spmem:s3] =	stream.indirect.scatter.add.f32 [tilespmem:s7], [sflag:s24], $0x80, s8, s22, $0xb8;
	[tilespmem:$0x1F880] =	vst v63  }
.Ltmp4:
0x56: {  	s7 =	sshra.s32 s25, $0x2;
	s24 =	sadd.s32 $0xFFFFFFFF, s17;
	(pc) =	sbr.rel @p3 .LBB2_7-.Ltmp4, $4  }
0x57: {  	s15 =	sadd.s32 $0x80, s15;
	s29 =	sadd.s32 $0x15880, s7;
	s8 =	sshll.u32 s24, $0x18  }
0x58: {  	s7 =	sadd.s32 $0x1, s0;
	s0 =	sshra.s32 s8, $0x1F;
	_ =	swait.ge [sflag:s26], $0x2800  }
0x59: {  	s25 =	sand.u32 $0x3, s5;
	s8 =	sand.u32 $0x3, s0;
	[sflag:s26] =	ssyncset.done $0x0  }
0x5a: {  	s0 =	sadd.s32 $0x1, s25;
	[sflag:s26] =	ssyncadd.s32 $0xFFFFD800;
	s26 =	smov.u32 s11  }
0x5b: {  	[tilespmem:s29], [sflag:s7] =	stream.indirect.gather [hbm4b:s6+s22], $0x80, s2, s22, $0xb8;
	[tilespmem:$0x1F880] =	vst v63  }
0x5c: {  	s11 =	smul.u32 $0xA000, s25  }
0x5d: {  	s29 =	sadd.s32 $0x5, s25;
	_ =	swait.ge [sflag:s0], $0x2800  }
0x5e: {  	s5 =	sadd.s32 s8, s24;
	[sflag:s0] =	ssyncset.done $0x0;
	s2 =	sshrl.u32 s11, $0x2  }
0x5f: {  	[sflag:s0] =	ssyncadd.s32 $0xFFFFD800;
	s26 =	sadd.s32 $0x15880, s2;
	s0 =	sand.u32 $0xFC, s5  }
0x60: {  	[spmem:s3] =	stream.indirect.scatter.add.f32 [tilespmem:s26], [sflag:s29], $0x80, s1, s22, $0xb8;
	[tilespmem:$0x1F880] =	vst v63  }
0x61: {  	s0 =	ssub.s32 s24, s0  }
0x62: {  	s0 =	sshll.u32 s0, $0x18  }
0x63: {  	s0 =	sshra.s32 s0, $0x18  }
0x64: {  	s7 =	smul.u32 $0xA000, s0;
	s8 =	sadd.s32 $0x5, s0  }
0x65: {  	_ =	swait.ge [sflag:s8], $0x2800  }
0x66: {  	s11 =	sand.u32 $0x3, s17;
	s1 =	sshra.s32 s7, $0x2;
	[sflag:s8] =	ssyncset.done $0x0  }
0x67: {  	s0 =	sadd.s32 $0x1, s0;
	[sflag:s8] =	ssyncadd.s32 $0xFFFFD800;
	s1 =	sadd.s32 $0x15880, s1  }
0x68: {  	[tilespmem:s1], [sflag:s0] =	stream.indirect.gather [hbm4b:s6+s22], $0x80, s14, s22, $0xb8;
	[tilespmem:$0x1F880] =	vst v63  }
0x69: {  	s17 =	smul.u32 $0xA000, s11;
	s14 =	sadd.s32 $0x1, s11  }
0x6a: {  	_ =	swait.ge [sflag:s14], $0x2800  }
0x6b: {  	s2 =	sshrl.u32 s17, $0x2;
	[sflag:s14] =	ssyncset.done $0x0  }
0x6c: {  	s24 =	sadd.s32 $0x15880, s2;
	s0 =	sadd.s32 $0x5, s11;
	[sflag:s14] =	ssyncadd.s32 $0xFFFFD800  }
0x6d: {  	[spmem:s3] =	stream.indirect.scatter.add.f32 [tilespmem:s24], [sflag:s0], $0x80, s15, s22, $0xb8;
	[tilespmem:$0x1F880] =	vst v63  }
0x6e: {  	_ =	swait.ge [sflag:s31], $0x2800  }
0x6f: {  	[sflag:s31] =	ssyncset.done $0x0  }
0x70: {  	s25 =	simm.s32 $0x15380;
	[sflag:s31] =	ssyncadd.s32 $0xFFFFD800  }
0x71: {  	[spmem:s3] =	stream.indirect.scatter.add.f32 [tilespmem:s28], [sflag:$0x7], $0x80, s25, s22, $0xb8;
	[tilespmem:$0x1F880] =	vst v63  }
0x72: {  	_ =	swait.ge [sflag:s4], $0x2800  }
0x73: {  	[sflag:s4] =	ssyncset.done $0x0  }
0x74: {  	s26 =	simm.s32 $0x15400;
	[sflag:s4] =	ssyncadd.s32 $0xFFFFD800  }
0x75: {  	[spmem:s3] =	stream.indirect.scatter.add.f32 [tilespmem:s30], [sflag:$0x8], $0x80, s26, s22, $0xb8;
	[tilespmem:$0x1F880] =	vst v63  }
0x76: {  	_ =	swait.ge [sflag:s10], $0x2800  }
0x77: {  	[sflag:s10] =	ssyncset.done $0x0  }
0x78: {  	s29 =	simm.s32 $0x15480;
	[sflag:s10] =	ssyncadd.s32 $0xFFFFD800  }
0x79: {  	[spmem:s3] =	stream.indirect.scatter.add.f32 [tilespmem:s23], [sflag:$0x5], $0x80, s29, s22, $0xb8;
	[tilespmem:$0x1F880] =	vst v63  }
0x7a: {  	_ =	swait.ge [sflag:s19], $0x2800  }
0x7b: {  	[sflag:s19] =	ssyncset.done $0x0  }
0x7c: {  	[sflag:s19] =	ssyncadd.s32 $0xFFFFD800  }
0x7d: {  	_ =	swait.ge [sflag:s12], $0x2800  }
0x7e: {  	[sflag:s12] =	ssyncset.done $0x0  }
0x7f: {  	s16 =	sadd.s32 $0x1, s16;
	[sflag:s12] =	ssyncadd.s32 $0xFFFFD800  }
0x80: {  	p3 =	sne.s32 s16, $0x5;
	_ =	swait.ge [sflag:s13], $0x2800  }
.Ltmp5:
0x81: {  	[sflag:s13] =	ssyncset.done $0x0;
	(pc) =	sbr.rel @p3 .LBB2_6-.Ltmp5, $4  }
0x82: {  	[sflag:s13] =	ssyncadd.s32 $0xFFFFD800  }
0x83: {  	_ =	swait.ge [sflag:s9], $0x2800  }
0x84: {  	[sflag:s9] =	ssyncset.done $0x0  }
0x85: {  	[sflag:s9] =	ssyncadd.s32 $0xFFFFD800  }
0x86: {  	[bflag:$0x0] =	sbarrier.arrive $0xFFFF  }
0x87: {  	s0 =	rddreg [dreg:$0xd]  }
0x88: {  	s1 =	rddreg [dreg:$0xa]  }
0x89: {  	s7 =	rddreg [dreg:$0xf];
	s0 =	sor.u32 $0x1C09, s0  }
0x8a: {  	[hbm:s1], [sflag:s0] =	dma.local [spmem:s7], $0x2700  }
0x8b: {  	_ =	swait.ge [sflag:s18], $0x2700  }
0x8c: {  	[sflag:s18] =	ssyncset.done $0x0;
	s1 =	rddreg [dreg:$0x7]  }
0x8d: {  	s2 =	rddreg [dreg:$0xb];
	[sflag:s18] =	ssyncadd.s32 $0xFFFFD900;
	s1 =	sshrl.u32 @!p2 s1, $0x3  }
0x8e: {  	[hbm:s2], [sflag:s0] =	dma.local @!p2 [spmem:s1], $0x100  }
0x8f: {  	s0 =	simm.s32 @!p2 $0x9  }
0x90: {  	_ =	swait.ge @!p2 [sflag:s0], $0x100  }
0x91: {  	s26 =	rddreg [dreg:$0x11]  }
0x92: {  	s29 =	rddreg [dreg:$0xc];
	s2 =	sadd.s32 $0x1, s26  }
0x93: {  	p3 =	sne.s32 s2, s29  }
.Ltmp6:
0x94: {  	_ = 	snop;
	(pc) =	sbr.rel @p3 .LBB2_1-.Ltmp6, $3  }
0x95: {  	_ =	sdelay $0x1  }
0x96: {  	[sflag:s0] =	ssyncset.done @!p2 $0x0  }
0x97: {  	[sflag:s0] =	ssyncadd.s32 @!p2 $0xFFFFFF00  }
0x98: {  	_ =	sfence.sel $0x180000  }
0x99: {  	[bflag:$0x0] =	sbarrier.arrive $0xFFFF  }
0x9a: {  	_ =	strace $0x9000004A  }
0x9b: {  	s0 =	stileid.u32;
	[bflag:$0x2] =	sbarrier.arrive $0xFFFF  }
0x9c: {  	p0 =	sne.s32 s0, $0x0;
	s0 =	rddreg [dreg:$0x4]  }
0x9d: {  	s0 =	sadd.s32 @!p0 $0x100000, s0  }
0x9e: {  	[sflag:s0] =	ssyncadd.tile.s32 @!p0 $0x1;
	_ =	shalt  }
.Lfunc_end2:
_tile_overlayer_lowered:
.L_overlay_start_2:
0x9f: {  	(tag) =	ssettag $0x2  }
0xa0: {  	s0 =	rddreg [dreg:$0x0];
	s2 =	stileid.u32  }
0xa1: {  	s1 =	rddreg [dreg:$0x1];
	p0 =	sne.s32 s2, $0x0  }
0xa2: {  	s3 =	rddreg [dreg:$0x2];
	[bflag:$0x3] =	sbarrier.arrive $0xFFFF;
	s2 =	simm.s32 @!p0 $0x1C09  }
0xa3: {  	[timem:s3], [sflag:s2] =	dma.local @!p0 [hbm:s0], s1  }
0xa4: {  	s0 =	simm.s32 @!p0 $0x9  }
0xa5: {  	_ =	swait.ge @!p0 [sflag:s0], s1  }
0xa6: {  	s1 =	ssub.s32 @!p0 $0x0, s1;
	[sflag:s0] =	ssyncset.done @!p0 $0x0  }
0xa7: {  	[sflag:s0] =	ssyncadd.s32 @!p0 s1  }
0xa8: {  	[bflag:$0x3] =	sbarrier.arrive $0xFFFF  }
0xa9: {  	_ =	shalt  }

// kernel: kernel.15.cloned.1.call-start
scs
__scs_entry_jumppad:
0x0: {  	(pc) =	sbr.rel $0x88, $3  }
0x1: {  	(tag) =	ssettag $0x0;
	lr =	simm.s32 $0x1  }
0x2: {  	[smem:$0x3F9A] =	sst lr;
	_ =	strace $0xD0000000  }
0x3: {  	_ = 	snop  }
0x4: {  	_ = 	snop  }
0x5: {  	_ = 	snop  }
0x6: {  	_ = 	snop  }
0x7: {  	_ = 	snop  }
__scs_overlays_trampoline_lowered:
0x8: {  	[smem:$0x3FA9] =	sst s0  }
0x9: {  	[smem:$0x3FAA] =	sst s1  }
0xa: {  	[smem:$0x3FAB] =	sst s2  }
0xb: {  	[smem:$0x3FAC] =	sst s3  }
0xc: {  	[smem:$0x3FAD] =	sst s4  }
0xd: {  	[smem:$0x3FAE] =	sst s5  }
0xe: {  	[smem:$0x3FAF] =	sst s6  }
0xf: {  	[smem:$0x3FB0] =	sst s7  }
0x10: {  	[smem:$0x3FB1] =	sst s8  }
0x11: {  	[smem:$0x3FB2] =	sst s9;
	s0 =	simm.s32 @!p0 $0x0  }
0x12: {  	s1 =	sld [smem:$0x3F98];
	s0 =	simm.s32 @p0 $0x1  }
0x13: {  	[smem:$0x3FB3] =	sst s0;
	s0 =	simm.s32 @!p1 $0x0  }
0x14: {  	s2 =	sld [smem:$0x3F97];
	s0 =	simm.s32 @p1 $0x1  }
0x15: {  	[smem:$0x3FB4] =	sst s0;
	s0 =	simm.s32 @!p2 $0x0  }
0x16: {  	s3 =	sld [smem:$0x3FDB];
	s0 =	simm.s32 @p2 $0x1  }
0x17: {  	s4 =	simm.s32 $0x1BF5;
	[smem:$0x3FB6] =	sst s0  }
0x18: {  	s0 =	sld [smem:$0x3F99];
	_ =	swait.ge [sflag:s4], $0x0  }
0x19: {  	s7 =	sld [smem:$0x3F9A]  }
0x1a: {  	s8 =	sadd.s32 $0xFFFFE003, lr  }
0x1b: {  	s9 =	sadd.s32 $0xFFFFFEF7, lr;
	s5 =	simm.s32 $0xFFFFFFFF;
	p2 =	slt.u32 s8, $0xFFFFF086  }
0x1c: {  	p1 =	slt.u32 s9, $0xF7A;
	s5 =	simm.s32 @!p2 $0x0  }
0x1d: {  	s5 =	simm.s32 @p1 $0x1;
	p0 =	seq.s32 s7, s2  }
0x1e: {  	s7 =	smul.u32 @!p0 $0xF7A, s2;
	p2 =	seq.s32 @!p0 s5, $0x0  }
0x1f: {  	s9 =	smul.u32 $0xF7A, s1;
	s8 =	simm.s32 @!p0 $0x1BF5;
	p2 =	por !p2, p0  }
0x20: {  	[sflag:s8] =	ssyncset.s32 @!p0 $0xFFFFF086;
	s6 =	sadd.s32 @!p0 s3, s7;
	s7 =	simm.s32 @!p0 $0x108  }
0x21: {  	s3 =	sadd.s32 s3, s9;
	s6 =	sadd.s32 @!p0 $0x88, s6;
	s7 =	simm.s32 @p2 $0x1082  }
0x22: {  	[simem:s7], [sflag:s8] =	dma.local @!p0 [hbm:s6], $0xF7A  }
0x23: {  	s9 =	sor.u32 $0xD0000000, s2;
	s6 =	simm.s32 $0x108;
	_ =	swait.ge @!p0 [sflag:s8], $0x0  }
0x24: {  	s3 =	sadd.s32 $0x88, s3;
	s6 =	simm.s32 @!p1 $0x1082;
	[sflag:s4] =	ssyncset.s32 $0xFFFFF086  }
0x25: {  	[simem:s6], [sflag:s4] =	dma.local [hbm:s3], $0xF7A  }
0x26: {  	[smem:$0x3F9A] =	sst s1;
	(tag) =	ssettag s2;
	_ =	strace s9  }
0x27: {  	s1 =	sld [smem:$0x3FAA]  }
0x28: {  	s2 =	sld [smem:$0x3FAB]  }
0x29: {  	s4 =	sld [smem:$0x3FAD]  }
0x2a: {  	p0 =	seq.s32 s5, $0x0;
	s5 =	sld [smem:$0x3FAE]  }
0x2b: {  	s6 =	sld [smem:$0x3FAF]  }
0x2c: {  	s7 =	sld [smem:$0x3FB0]  }
0x2d: {  	s3 =	simm.s32 $0x108;
	s8 =	sld [smem:$0x3FB1]  }
0x2e: {  	s3 =	simm.s32 @!p0 $0x1082;
	s9 =	sld [smem:$0x3FB2]  }
0x2f: {  	lr =	sadd.s32 s0, s3;
	s0 =	sld [smem:$0x3FA9]  }
0x30: {  	s3 =	sld [smem:$0x3FAC]  }
0x31: {  	[smem:$0x3FB5] =	sst s10  }
0x32: {  	s10 =	sld [smem:$0x3FB3];
	_ =	sdelay $0x3  }
0x33: {  	p0 =	seq.s32 s10, $0x1;
	s10 =	sld [smem:$0x3FB5];
	_ =	sdelay $0x3  }
0x34: {  	[smem:$0x3FB5] =	sst s10  }
0x35: {  	s10 =	sld [smem:$0x3FB4];
	_ =	sdelay $0x3  }
0x36: {  	p1 =	seq.s32 s10, $0x1;
	s10 =	sld [smem:$0x3FB5];
	_ =	sdelay $0x3  }
0x37: {  	[smem:$0x3FB5] =	sst s10  }
0x38: {  	s10 =	sld [smem:$0x3FB6]  }
0x39: {  	_ = 	snop;
	(pc) =	sbr.ind lr, $3  }
0x3a: {  	_ = 	snop  }
0x3b: {  	_ = 	snop  }
0x3c: {  	p2 =	seq.s32 s10, $0x1;
	s10 =	sld [smem:$0x3FB5]  }
0x3d: {  	_ =	shalt  }
0x3e: {  	_ =	shalt  }
0x3f: {  	_ =	shalt  }
0x40: {  	_ =	shalt  }
0x41: {  	_ =	shalt  }
0x42: {  	_ =	shalt  }
0x43: {  	_ =	shalt  }
0x44: {  	_ =	shalt  }
0x45: {  	_ =	shalt  }
0x46: {  	_ =	shalt  }
0x47: {  	_ =	shalt  }
0x48: {  	_ =	shalt  }
0x49: {  	_ =	shalt  }
0x4a: {  	_ =	shalt  }
0x4b: {  	_ =	shalt  }
0x4c: {  	_ =	shalt  }
0x4d: {  	_ =	shalt  }
0x4e: {  	_ =	shalt  }
0x4f: {  	_ =	shalt  }
0x50: {  	_ =	shalt  }
0x51: {  	_ =	shalt  }
0x52: {  	_ =	shalt  }
0x53: {  	_ =	shalt  }
0x54: {  	_ =	shalt  }
0x55: {  	_ =	shalt  }
0x56: {  	_ =	shalt  }
0x57: {  	_ =	shalt  }
0x58: {  	_ =	shalt  }
0x59: {  	_ =	shalt  }
0x5a: {  	_ =	shalt  }
0x5b: {  	_ =	shalt  }
0x5c: {  	_ =	shalt  }
0x5d: {  	_ =	shalt  }
0x5e: {  	_ =	shalt  }
0x5f: {  	_ =	shalt  }
0x60: {  	_ =	shalt  }
0x61: {  	_ =	shalt  }
0x62: {  	_ =	shalt  }
0x63: {  	_ =	shalt  }
0x64: {  	_ =	shalt  }
0x65: {  	_ =	shalt  }
0x66: {  	_ =	shalt  }
0x67: {  	_ =	shalt  }
0x68: {  	_ =	shalt  }
0x69: {  	_ =	shalt  }
0x6a: {  	_ =	shalt  }
0x6b: {  	_ =	shalt  }
0x6c: {  	_ =	shalt  }
0x6d: {  	_ =	shalt  }
0x6e: {  	_ =	shalt  }
0x6f: {  	_ =	shalt  }
0x70: {  	_ =	shalt  }
0x71: {  	_ =	shalt  }
0x72: {  	_ =	shalt  }
0x73: {  	_ =	shalt  }
0x74: {  	_ =	shalt  }
0x75: {  	_ =	shalt  }
0x76: {  	_ =	shalt  }
0x77: {  	_ =	shalt  }
0x78: {  	_ =	shalt  }
0x79: {  	_ =	shalt  }
0x7a: {  	_ =	shalt  }
0x7b: {  	_ =	shalt  }
0x7c: {  	_ =	shalt  }
0x7d: {  	_ =	shalt  }
0x7e: {  	_ =	shalt  }
0x7f: {  	_ =	shalt  }
0x80: {  	_ =	shalt  }
0x81: {  	_ =	shalt  }
0x82: {  	_ =	shalt  }
0x83: {  	_ =	shalt  }
0x84: {  	_ =	shalt  }
0x85: {  	_ =	shalt  }
0x86: {  	_ =	shalt  }
0x87: {  	_ =	shalt  }
.Lfunc_end0:
.L_simem_size_0:
called_computation.2_lowered:
.L_overlay_start_0:
0x88: {  	s2 =	sld [smem:$0x3FD9]  }
0x89: {  	s3 =	sld [smem:$0x3FFE];
	_ =	sdelay $0x1  }
0x8a: {  	s1 =	srdreg.scid  }
0x8b: {  	s0 =	sand.u32 $0x1, s1  }
0x8c: {  	s14 =	sshll.u32 s0, $0xA;
	s2 =	sadd.s32 s3, s2  }
0x8d: {  	s2 =	sadd.s32 s2, s14  }
0x8e: {  	[smem:$0x3FC1] =	sst s2  }
0x8f: {  	_ = 	snop  }
0x90: {  	s2 =	sld [smem:$0x3FD0];
	_ =	sdelay $0x2  }
0x91: {  	s15 =	simm.s32 $0xA;
	s4 =	simm.s32 $0x10  }
0x92: {  	[smem:s4], [sflag:s15] =	dma.local [hbm:s2], $0x1  }
0x93: {  	_ =	swait.eq [sflag:s15], $0x1  }
0x94: {  	[sflag:s15] =	ssyncset.done $0x0  }
0x95: {  	s16 =	sld [smem:$0x12];
	[sflag:s15] =	ssyncadd.s32 $0xFFFFFFFF  }
0x96: {  	s17 =	sld [smem:$0x13];
	(tm) =	ssettm $0x1  }
0x97: {  	s18 =	sld [smem:$0x3FFB];
	_ =	sdelay $0x3  }
0x98: {  	_ =	strace s18  }
0x99: {  	s4 =	sld [smem:$0x3FFC];
	_ =	sdelay $0x3  }
0x9a: {  	_ =	strace s4  }
0x9b: {  	s4 =	sld [smem:$0x3FFD];
	_ =	sdelay $0x3  }
0x9c: {  	_ =	strace s4  }
0x9d: {  	_ =	strace $0x8FFFFFFF  }
0x9e: {  	s19 =	sld [smem:$0x3FDB];
	_ =	sdelay $0x1  }
0x9f: {  	s5 =	simm.s32 $_scs_section_size  }
0xa0: {  	s6 =	simm.s32 $_size__tile_overlayer_lowered;
	s7 =	simm.s32 $_tile_overlayer_lowered  }
0xa1: {  	s22 =	simm.s32 $0x1BFF;
	s21 =	sshll.u32 s7, $0x1;
	s4 =	sadd.s32 s5, s19  }
0xa2: {  	s8 =	simm.s32 $0x0;
	s20 =	sshll.u32 s6, $0x1;
	s6 =	sadd.s32 s21, s4  }
0xa3: {  	[timem:s8], [sflag:s22] =	dma.local [hbm:s6], s20  }
0xa4: {  	_ =	swait.ge [sflag:s22], s20  }
0xa5: {  	s5 =	ssub.s32 $0x0, s20;
	[sflag:s22] =	ssyncset.done $0x0  }
0xa6: {  	[sflag:s22] =	ssyncadd.s32 s5;
	_ =	sdelay $0x1  }
0xa7: {  	s23 =	simm.s32 $0x1B8B  }
0xa8: {  	_ =	swait.ge [sflag:s23], $0x1  }
0xa9: {  	[sflag:s23] =	ssyncset.done $0x0  }
0xaa: {  	s25 =	simm.s32 $0x1B8E;
	s24 =	sld [smem:$0x3FFE];
	[sflag:s23] =	ssyncadd.s32 $0xFFFFFFFF  }
0xab: {  	s26 =	simm.s32 $execute0_lowered;
	[smem:$0x3FD2] =	sst s25  }
0xac: {  	s6 =	sshll.u32 s26, $0x1;
	_ =	strace $0x8000004C;
	[dreg:$0x1] =	wrdreg $0xFFFFFFFF  }
0xad: {  	s28 =	simm.s32 $_size_execute0_lowered;
	s4 =	sadd.s32 s4, s6;
	[dreg:$0x0] =	wrdreg $0x0  }
0xae: {  	s6 =	sshll.u32 s28, $0x1;
	[dreg:$0x2] =	wrdreg s4  }
0xaf: {  	[dreg:$0x3] =	wrdreg s6  }
0xb0: {  	[dreg:$0x4] =	wrdreg $0xC0  }
0xb1: {  	_ =	task [dreg:s8], $0x5FFFF  }
0xb2: {  	[dreg:$0x1] =	wrdreg $0xFFFFFFFF  }
0xb3: {  	[dreg:$0x0] =	wrdreg $0x60  }
0xb4: {  	[dreg:$0x2] =	wrdreg s24  }
0xb5: {  	[dreg:$0x3] =	wrdreg s16  }
0xb6: {  	[dreg:$0x4] =	wrdreg s17  }
0xb7: {  	[dreg:$0x5] =	wrdreg $0x0  }
0xb8: {  	[dreg:$0x6] =	wrdreg $0x9  }
0xb9: {  	_ =	task.clear_ibuf [dreg:s8], $0x7FFFF;
	_ =	strace $0x9000004C  }
0xba: {  	s29 =	simm.s32 $0x9;
	_ =	strace $0x8000004E  }
0xbb: {  	_ =	swait.ge [sflag:s29], $0x1  }
0xbc: {  	[sflag:s29] =	ssyncadd.s32 $0xFFFFFFFF  }
0xbd: {  	_ =	strace $0x9000004E  }
0xbe: {  	_ =	sfence  }
0xbf: {  	s30 =	sld [smem:$0x0];
	_ =	sdelay $0x2  }
0xc0: {  	s31 =	sshll.u32 s1, $0xD;
	s1 =	sshrl.u32 s1, $0x2  }
0xc1: {  	s3 =	sand.u32 $0x4000, s31;
	s1 =	sadd.s32 s1, s30  }
0xc2: {  	s0 =	sor.u32 s3, s0;
	s1 =	sshll.u32 s1, $0x11  }
0xc3: {  	s0 =	sor.u32 s1, s0  }
0xc4: {  	s0 =	sadd.s32 $0x8F2B, s0  }
0xc5: {  	[sflag:s0] =	ssyncadd.remote.s32 $0x1  }
0xc6: {  	_ =	sfence.sel $0xFFFF  }
0xc7: {  	[dreg:$0x0] =	wrdreg $0xFFFFFFFF;
	(pc) =	sbr.abs _section_cstart, $3  }
0xc8: {  	[dreg:$0x1] =	wrdreg $0xFFFFFFFF  }
0xc9: {  	_ =	task.clear_ibuf [dreg:s8], $0x2FFFF;
	_ =	strace $0x9FFFFFFF  }
0xca: {  	(tm) =	ssettm $0x7FFFFFFF  }
0xcb: {  	_ =	shalt  }
tec
execute0_lowered:
.L_overlay_start_1:
0x0: {  	(tag) =	ssettag $0x1  }
0x1: {  	s0 =	rddreg [dreg:$0x0]  }
0x2: {  	s3 =	rddreg [dreg:$0x3];
	s1 =	simm.s32 $0x0;
	s20 =	srdreg.scid  }
0x3: {  	s5 =	stileid.u32;
	s18 =	simm.s32 $0x9;
	s28 =	simm.s32 $0x1A880  }
0x4: {  	s30 =	simm.s32 $0x1D080;
	s31 =	simm.s32 $0x3;
	s19 =	simm.s32 $0x6  }
0x5: {  	s12 =	simm.s32 $0x7;
	s13 =	simm.s32 $0x8;
	[smem:$0x7FF] =	sst s1  }
0x6: {  	s1 =	sand.u32 $0x1, s20;
	s6 =	sadd.s32 $0x76E00, s0;
	s4 =	smul.u32 $0x4E000, s5  }
0x7: {  	s11 =	sadd.s32 $0x1A00, s0;
	s8 =	smul.u32 $0x2700, s5;
	s0 =	sadd.s32 $0x9E000, s0  }
0x8: {  	s10 =	smul.u32 $0x13800, s5;
	s22 =	sadd.s32 $0x138000, s3;
	s26 =	sshll.u32 s5, $0x6  }
0x9: {  	p1 =	seq.s32 s5, $0xF;
	s20 =	simm.s32 $0x13880;
	p2 =	sne.s32 s5, $0xF  }
0xa: {  	_ =	strace $0x8000004D;
	s2 =	ssub.s32 $0x2, s1;
	[dreg:$0x5] =	wrdreg s11  }
0xb: {  	s21 =	smul.u32 $0x138800, s1;
	s9 =	sshll.u32 s1, $0x4;
	[dreg:$0xd] =	wrdreg s26  }
0xc: {  	p0 =	sne.s32 s1, $0x0;
	[dreg:$0x7] =	wrdreg s22;
	s29 =	sshrl.u32 s22, $0x3  }
0xd: {  	s22 =	simm.s32 $0x50;
	s7 =	sshrl.u32 s2, $0x1;
	s4 =	sshrl.u32 s4, $0x2  }
0xe: {  	s9 =	sor.u32 s5, s9;
	s11 =	sadd.s32 s11, s8;
	s8 =	sadd.s32 s6, s8  }
0xf: {  	[dreg:$0x10] =	wrdreg s29;
	s2 =	ssub.s32 s2, s7;
	s4 =	sadd.s32 s4, s3  }
0x10: {  	[dreg:$0x6] =	wrdreg s11;
	s10 =	sadd.s32 s10, s21;
	s9 =	smul.u32 $0x5, s9  }
0x11: {  	s7 =	sshrl.u32 s21, $0x3;
	[dreg:$0x8] =	wrdreg s8;
	s21 =	simm.s32 $0x14880  }
0x12: {  	s23 =	sshrl.u32 s10, $0x3;
	s25 =	smax.u32 s2, $0x1;
	[dreg:$0x9] =	wrdreg s9  }
0x13: {  	s7 =	sadd.s32 s0, s7;
	s0 =	sadd.s32 s0, s23;
	[dreg:$0xc] =	wrdreg s25  }
0x14: {  	s10 =	simm.s32 $0x1;
	s24 =	sadd.s32 $0x27000, s7;
	[dreg:$0xa] =	wrdreg s0  }
0x15: {  	s2 =	simm.s32 $0x0;
	s7 =	sshrl.u32 s4, $0x3;
	[dreg:$0xb] =	wrdreg s24  }
0x16: {  	s23 =	simm.s32 $0x15880;
	s0 =	sor.u32 $0x1C09, s26;
	[dreg:$0xf] =	wrdreg s7  }
0x17: {  	s4 =	simm.s32 $0x4;
	s9 =	simm.s32 $0x5;
	[dreg:$0xe] =	wrdreg s0  }
.LBB2_1:
.Ltmp0:
0x18: {  	(pc) =	sbr.rel @p0 .LBB2_3-.Ltmp0, $2  }
0x19: {  	_ =	sdelay $0x2  }
0x1a: {  	[dreg:$0x11] =	wrdreg s2  }
0x1b: {  	s0 =	rddreg [dreg:$0x8]  }
0x1c: {  	s2 =	rddreg [dreg:$0xe]  }
0x1d: {  	[spmem:s7], [sflag:s2] =	dma.local [hbm:s0], $0x2700  }
.Ltmp1:
0x1e: {  	_ = 	snop;
	(pc) =	sbr.rel @p1 .LBB2_4-.Ltmp1, $4  }
.Ltmp2:
0x1f: {  	_ = 	snop;
	(pc) =	sbr.rel @!p1 .LBB2_5-.Ltmp2, $4  }
0x20: {  	_ =	swait.ge [sflag:s18], $0x2700  }
0x21: {  	[sflag:s18] =	ssyncset.done $0x0  }
0x22: {  	s1 =	smov.u32 s6;
	s0 =	smov.u32 s2;
	[sflag:s18] =	ssyncadd.s32 $0xFFFFD900  }
0x23: {  	_ = 	snop  }
.LBB2_3:
0x24: {  	s0 =	rddreg [dreg:$0xd]  }
.Ltmp3:
0x25: {  	s1 =	rddreg [dreg:$0x6];
	s0 =	sor.u32 $0x1C09, s0;
	(pc) =	sbr.rel @p2 .LBB2_5-.Ltmp3, $4  }
0x26: {  	[spmem:s7], [sflag:s0] =	dma.local [hbm:s1], $0x2700  }
0x27: {  	_ =	swait.ge [sflag:s18], $0x2700  }
0x28: {  	[sflag:s18] =	ssyncset.done $0x0  }
0x29: {  	s1 =	rddreg [dreg:$0x5];
	[sflag:s18] =	ssyncadd.s32 $0xFFFFD900  }
.LBB2_4:
0x2a: {  	s1 =	sadd.s32 $0x27000, s1;
	s2 =	rddreg [dreg:$0x10]  }
0x2b: {  	[spmem:s2], [sflag:s0] =	dma.local [hbm:s1], $0x100  }
0x2c: {  	_ =	swait.ge [sflag:s18], $0x100  }
0x2d: {  	[sflag:s18] =	ssyncset.done $0x0  }
0x2e: {  	[sflag:s18] =	ssyncadd.s32 $0xFFFFFF00  }
.LBB2_5:
0x2f: {  	[bflag:$0x0] =	sbarrier.arrive $0xFFFF;
	s16 =	simm.s32 $0x0  }
.LBB2_6:
0x30: {  	s0 =	rddreg [dreg:$0x9]  }
0x31: {  	s0 =	sadd.s32 s0, s16  }
0x32: {  	s1 =	rddreg [dreg:$0x1];
	s0 =	sshll.u32 s0, $0x9  }
0x33: {  	s2 =	simm.s32 $0x0;
	s1 =	sadd.s32 s1, s0  }
0x34: {  	[tilespmem:s20], [sflag:$0x9] =	stream.linear.gather [hbm4b:s1+s2], $0xC80, $0x38;
	[tilespmem:$0x1F880] =	vst v63  }
0x35: {  	_ =	swait.ge [sflag:s18], $0xC80  }
0x36: {  	[sflag:s18] =	ssyncset.done $0x0  }
0x37: {  	[sflag:s18] =	ssyncadd.s32 $0xFFFFF380  }
0x38: {  	s8 =	simm.s32 $0x0;
	s11 =	rddreg [dreg:$0x2]  }
0x39: {  	s1 =	sand.u32 $0x3, s8;
	s0 =	sadd.s32 s11, s0  }
0x3a: {  	[tilespmem:s21], [sflag:$0x9] =	stream.linear.gather [hbm4b:s0+s2], $0xC80, $0x38;
	[tilespmem:$0x1F880] =	vst v63  }
0x3b: {  	s1 =	sadd.s32 $0x0, s1;
	_ =	swait.ge [sflag:s18], $0xC80  }
0x3c: {  	s14 =	simm.s32 $0x13900;
	s1 =	sand.u32 $0xFC, s1;
	[sflag:s18] =	ssyncset.done $0x0  }
0x3d: {  	s15 =	simm.s32 $0x18080;
	s1 =	ssub.s32 $0x0, s1;
	[sflag:s18] =	ssyncadd.s32 $0xFFFFF380  }
0x3e: {  	[tilespmem:s23], [sflag:$0x1] =	stream.indirect.gather [hbm4b:s6+s22], $0x80, s20, s22, $0xb8;
	[tilespmem:$0x1F880] =	vst v63  }
0x3f: {  	s17 =	simm.s32 $0x13980;
	s24 =	simm.s32 $0x13A00;
	s1 =	sshll.u32 s1, $0x18  }
0x40: {  	[tilespmem:s15], [sflag:$0x2] =	stream.indirect.gather [hbm4b:s6+s22], $0x80, s14, s22, $0xb8;
	[tilespmem:$0x1F880] =	vst v63  }
0x41: {  	s25 =	simm.s32 $0x1;
	s26 =	simm.s32 $0x3;
	s7 =	sshra.s32 s1, $0x18  }
0x42: {  	[tilespmem:s28], [sflag:$0x3] =	stream.indirect.gather [hbm4b:s6+s22], $0x80, s17, s22, $0xb8;
	[tilespmem:$0x1F880] =	vst v63  }
0x43: {  	s1 =	simm.s32 $0x14900;
	s11 =	simm.s32 $0x0;
	s8 =	smul.u32 $0xA000, s7  }
0x44: {  	[tilespmem:s30], [sflag:$0x4] =	stream.indirect.gather [hbm4b:s6+s22], $0x80, s24, s22, $0xb8;
	[tilespmem:$0x1F880] =	vst v63  }
0x45: {  	s2 =	simm.s32 $0x13A80;
	s5 =	sadd.s32 $0x5, s7;
	_ =	swait.ge [sflag:s25], $0x2800  }
0x46: {  	s7 =	sadd.s32 $0x1, s7;
	s8 =	sshra.s32 s8, $0x2;
	[sflag:s25] =	ssyncset.done $0x0  }
0x47: {  	s29 =	sadd.s32 $0x15880, s8;
	s8 =	sand.u32 $0x3, s11;
	[sflag:s25] =	ssyncadd.s32 $0xFFFFD800  }
0x48: {  	[spmem:s3] =	stream.indirect.scatter.add.f32 [tilespmem:s23], [sflag:$0x5], $0x80, s21, s22, $0xb8;
	[tilespmem:$0x1F880] =	vst v63  }
0x49: {  	s14 =	simm.s32 $0x13B00;
	s15 =	simm.s32 $0x14980;
	_ =	swait.ge [sflag:s5], $0x2800  }
0x4a: {  	s17 =	simm.s32 $0x2;
	s25 =	sand.u32 $0x3, s25;
	[sflag:s5] =	ssyncset.done $0x0  }
0x4b: {  	s24 =	simm.s32 $0x1;
	s0 =	sadd.s32 $0x1, s25;
	[sflag:s5] =	ssyncadd.s32 $0xFFFFD800  }
.LBB2_7:
0x4c: {  	[tilespmem:s29], [sflag:s7] =	stream.indirect.gather [hbm4b:s6+s22], $0x80, s2, s22, $0xb8;
	[tilespmem:$0x1F880] =	vst v63  }
0x4d: {  	s5 =	smov.u32 s17  }
0x4e: {  	s17 =	smov.u32 s26;
	s2 =	smov.u32 s14;
	s11 =	sadd.s32 $0x1, s26  }
0x4f: {  	s7 =	sadd.s32 s8, s24;
	s8 =	smul.u32 $0xA000, s25;
	_ =	swait.ge [sflag:s0], $0x2800  }
0x50: {  	p3 =	sne.s32 s26, $0x15;
	s7 =	sand.u32 $0xFC, s7;
	[sflag:s0] =	ssyncset.done $0x0  }
0x51: {  	s14 =	sadd.s32 $0x80, s14;
	s7 =	ssub.s32 s24, s7;
	[sflag:s0] =	ssyncadd.s32 $0xFFFFD800  }
0x52: {  	s0 =	sshll.u32 s7, $0x18;
	s7 =	sshrl.u32 s8, $0x2;
	s8 =	smov.u32 s1  }
0x53: {  	s24 =	sadd.s32 $0x5, s25;
	s0 =	sshra.s32 s0, $0x18;
	s7 =	sadd.s32 $0x15880, s7  }
0x54: {  	s1 =	smov.u32 s15;
	s25 =	smul.u32 $0xA000, s0;
	s26 =	sadd.s32 $0x5, s0  }
0x55: {  	[spmem:s3] =	stream.indirect.scatter.add.f32 [tilespmem:s7], [sflag:s24], $0x80, s8, s22, $0xb8;
	[tilespmem:$0x1F880] =	vst v63  }
.Ltmp4:
0x56: {  	s7 =	sshra.s32 s25, $0x2;
	s24 =	sadd.s32 $0xFFFFFFFF, s17;
	(pc) =	sbr.rel @p3 .LBB2_7-.Ltmp4, $4  }
0x57: {  	s15 =	sadd.s32 $0x80, s15;
	s29 =	sadd.s32 $0x15880, s7;
	s8 =	sshll.u32 s24, $0x18  }
0x58: {  	s7 =	sadd.s32 $0x1, s0;
	s0 =	sshra.s32 s8, $0x1F;
	_ =	swait.ge [sflag:s26], $0x2800  }
0x59: {  	s25 =	sand.u32 $0x3, s5;
	s8 =	sand.u32 $0x3, s0;
	[sflag:s26] =	ssyncset.done $0x0  }
0x5a: {  	s0 =	sadd.s32 $0x1, s25;
	[sflag:s26] =	ssyncadd.s32 $0xFFFFD800;
	s26 =	smov.u32 s11  }
0x5b: {  	[tilespmem:s29], [sflag:s7] =	stream.indirect.gather [hbm4b:s6+s22], $0x80, s2, s22, $0xb8;
	[tilespmem:$0x1F880] =	vst v63  }
0x5c: {  	s11 =	smul.u32 $0xA000, s25  }
0x5d: {  	s29 =	sadd.s32 $0x5, s25;
	_ =	swait.ge [sflag:s0], $0x2800  }
0x5e: {  	s5 =	sadd.s32 s8, s24;
	[sflag:s0] =	ssyncset.done $0x0;
	s2 =	sshrl.u32 s11, $0x2  }
0x5f: {  	[sflag:s0] =	ssyncadd.s32 $0xFFFFD800;
	s26 =	sadd.s32 $0x15880, s2;
	s0 =	sand.u32 $0xFC, s5  }
0x60: {  	[spmem:s3] =	stream.indirect.scatter.add.f32 [tilespmem:s26], [sflag:s29], $0x80, s1, s22, $0xb8;
	[tilespmem:$0x1F880] =	vst v63  }
0x61: {  	s0 =	ssub.s32 s24, s0  }
0x62: {  	s0 =	sshll.u32 s0, $0x18  }
0x63: {  	s0 =	sshra.s32 s0, $0x18  }
0x64: {  	s7 =	smul.u32 $0xA000, s0;
	s8 =	sadd.s32 $0x5, s0  }
0x65: {  	_ =	swait.ge [sflag:s8], $0x2800  }
0x66: {  	s11 =	sand.u32 $0x3, s17;
	s1 =	sshra.s32 s7, $0x2;
	[sflag:s8] =	ssyncset.done $0x0  }
0x67: {  	s0 =	sadd.s32 $0x1, s0;
	[sflag:s8] =	ssyncadd.s32 $0xFFFFD800;
	s1 =	sadd.s32 $0x15880, s1  }
0x68: {  	[tilespmem:s1], [sflag:s0] =	stream.indirect.gather [hbm4b:s6+s22], $0x80, s14, s22, $0xb8;
	[tilespmem:$0x1F880] =	vst v63  }
0x69: {  	s17 =	smul.u32 $0xA000, s11;
	s14 =	sadd.s32 $0x1, s11  }
0x6a: {  	_ =	swait.ge [sflag:s14], $0x2800  }
0x6b: {  	s2 =	sshrl.u32 s17, $0x2;
	[sflag:s14] =	ssyncset.done $0x0  }
0x6c: {  	s24 =	sadd.s32 $0x15880, s2;
	s0 =	sadd.s32 $0x5, s11;
	[sflag:s14] =	ssyncadd.s32 $0xFFFFD800  }
0x6d: {  	[spmem:s3] =	stream.indirect.scatter.add.f32 [tilespmem:s24], [sflag:s0], $0x80, s15, s22, $0xb8;
	[tilespmem:$0x1F880] =	vst v63  }
0x6e: {  	_ =	swait.ge [sflag:s31], $0x2800  }
0x6f: {  	[sflag:s31] =	ssyncset.done $0x0  }
0x70: {  	s25 =	simm.s32 $0x15380;
	[sflag:s31] =	ssyncadd.s32 $0xFFFFD800  }
0x71: {  	[spmem:s3] =	stream.indirect.scatter.add.f32 [tilespmem:s28], [sflag:$0x7], $0x80, s25, s22, $0xb8;
	[tilespmem:$0x1F880] =	vst v63  }
0x72: {  	_ =	swait.ge [sflag:s4], $0x2800  }
0x73: {  	[sflag:s4] =	ssyncset.done $0x0  }
0x74: {  	s26 =	simm.s32 $0x15400;
	[sflag:s4] =	ssyncadd.s32 $0xFFFFD800  }
0x75: {  	[spmem:s3] =	stream.indirect.scatter.add.f32 [tilespmem:s30], [sflag:$0x8], $0x80, s26, s22, $0xb8;
	[tilespmem:$0x1F880] =	vst v63  }
0x76: {  	_ =	swait.ge [sflag:s10], $0x2800  }
0x77: {  	[sflag:s10] =	ssyncset.done $0x0  }
0x78: {  	s29 =	simm.s32 $0x15480;
	[sflag:s10] =	ssyncadd.s32 $0xFFFFD800  }
0x79: {  	[spmem:s3] =	stream.indirect.scatter.add.f32 [tilespmem:s23], [sflag:$0x5], $0x80, s29, s22, $0xb8;
	[tilespmem:$0x1F880] =	vst v63  }
0x7a: {  	_ =	swait.ge [sflag:s19], $0x2800  }
0x7b: {  	[sflag:s19] =	ssyncset.done $0x0  }
0x7c: {  	[sflag:s19] =	ssyncadd.s32 $0xFFFFD800  }
0x7d: {  	_ =	swait.ge [sflag:s12], $0x2800  }
0x7e: {  	[sflag:s12] =	ssyncset.done $0x0  }
0x7f: {  	s16 =	sadd.s32 $0x1, s16;
	[sflag:s12] =	ssyncadd.s32 $0xFFFFD800  }
0x80: {  	p3 =	sne.s32 s16, $0x5;
	_ =	swait.ge [sflag:s13], $0x2800  }
.Ltmp5:
0x81: {  	[sflag:s13] =	ssyncset.done $0x0;
	(pc) =	sbr.rel @p3 .LBB2_6-.Ltmp5, $4  }
0x82: {  	[sflag:s13] =	ssyncadd.s32 $0xFFFFD800  }
0x83: {  	_ =	swait.ge [sflag:s9], $0x2800  }
0x84: {  	[sflag:s9] =	ssyncset.done $0x0  }
0x85: {  	[sflag:s9] =	ssyncadd.s32 $0xFFFFD800  }
0x86: {  	[bflag:$0x0] =	sbarrier.arrive $0xFFFF  }
0x87: {  	s0 =	rddreg [dreg:$0xd]  }
0x88: {  	s1 =	rddreg [dreg:$0xa]  }
0x89: {  	s7 =	rddreg [dreg:$0xf];
	s0 =	sor.u32 $0x1C09, s0  }
0x8a: {  	[hbm:s1], [sflag:s0] =	dma.local [spmem:s7], $0x2700  }
0x8b: {  	_ =	swait.ge [sflag:s18], $0x2700  }
0x8c: {  	[sflag:s18] =	ssyncset.done $0x0;
	s1 =	rddreg [dreg:$0x7]  }
0x8d: {  	s2 =	rddreg [dreg:$0xb];
	[sflag:s18] =	ssyncadd.s32 $0xFFFFD900;
	s1 =	sshrl.u32 @!p2 s1, $0x3  }
0x8e: {  	[hbm:s2], [sflag:s0] =	dma.local @!p2 [spmem:s1], $0x100  }
0x8f: {  	s0 =	simm.s32 @!p2 $0x9  }
0x90: {  	_ =	swait.ge @!p2 [sflag:s0], $0x100  }
0x91: {  	s26 =	rddreg [dreg:$0x11]  }
0x92: {  	s29 =	rddreg [dreg:$0xc];
	s2 =	sadd.s32 $0x1, s26  }
0x93: {  	p3 =	sne.s32 s2, s29  }
.Ltmp6:
0x94: {  	_ = 	snop;
	(pc) =	sbr.rel @p3 .LBB2_1-.Ltmp6, $3  }
0x95: {  	_ =	sdelay $0x1  }
0x96: {  	[sflag:s0] =	ssyncset.done @!p2 $0x0  }
0x97: {  	[sflag:s0] =	ssyncadd.s32 @!p2 $0xFFFFFF00  }
0x98: {  	_ =	sfence.sel $0x180000  }
0x99: {  	[bflag:$0x0] =	sbarrier.arrive $0xFFFF  }
0x9a: {  	_ =	strace $0x9000004D  }
0x9b: {  	s0 =	stileid.u32;
	[bflag:$0x2] =	sbarrier.arrive $0xFFFF  }
0x9c: {  	p0 =	sne.s32 s0, $0x0;
	s0 =	rddreg [dreg:$0x4]  }
0x9d: {  	s0 =	sadd.s32 @!p0 $0x100000, s0  }
0x9e: {  	[sflag:s0] =	ssyncadd.tile.s32 @!p0 $0x1;
	_ =	shalt  }
.Lfunc_end2:
_tile_overlayer_lowered:
.L_overlay_start_2:
0x9f: {  	(tag) =	ssettag $0x2  }
0xa0: {  	s0 =	rddreg [dreg:$0x0];
	s2 =	stileid.u32  }
0xa1: {  	s1 =	rddreg [dreg:$0x1];
	p0 =	sne.s32 s2, $0x0  }
0xa2: {  	s3 =	rddreg [dreg:$0x2];
	[bflag:$0x3] =	sbarrier.arrive $0xFFFF;
	s2 =	simm.s32 @!p0 $0x1C09  }
0xa3: {  	[timem:s3], [sflag:s2] =	dma.local @!p0 [hbm:s0], s1  }
0xa4: {  	s0 =	simm.s32 @!p0 $0x9  }
0xa5: {  	_ =	swait.ge @!p0 [sflag:s0], s1  }
0xa6: {  	s1 =	ssub.s32 @!p0 $0x0, s1;
	[sflag:s0] =	ssyncset.done @!p0 $0x0  }
0xa7: {  	[sflag:s0] =	ssyncadd.s32 @!p0 s1  }
0xa8: {  	[bflag:$0x3] =	sbarrier.arrive $0xFFFF  }
0xa9: {  	_ =	shalt  }

// kernel: kernel.9.cloned.1.call-start
scs
__scs_entry_jumppad:
0x0: {  	(pc) =	sbr.rel $0x88, $3  }
0x1: {  	(tag) =	ssettag $0x0;
	lr =	simm.s32 $0x1  }
0x2: {  	[smem:$0x3F9A] =	sst lr;
	_ =	strace $0xD0000000  }
0x3: {  	_ = 	snop  }
0x4: {  	_ = 	snop  }
0x5: {  	_ = 	snop  }
0x6: {  	_ = 	snop  }
0x7: {  	_ = 	snop  }
__scs_overlays_trampoline_lowered:
0x8: {  	[smem:$0x3FA9] =	sst s0  }
0x9: {  	[smem:$0x3FAA] =	sst s1  }
0xa: {  	[smem:$0x3FAB] =	sst s2  }
0xb: {  	[smem:$0x3FAC] =	sst s3  }
0xc: {  	[smem:$0x3FAD] =	sst s4  }
0xd: {  	[smem:$0x3FAE] =	sst s5  }
0xe: {  	[smem:$0x3FAF] =	sst s6  }
0xf: {  	[smem:$0x3FB0] =	sst s7  }
0x10: {  	[smem:$0x3FB1] =	sst s8  }
0x11: {  	[smem:$0x3FB2] =	sst s9;
	s0 =	simm.s32 @!p0 $0x0  }
0x12: {  	s1 =	sld [smem:$0x3F98];
	s0 =	simm.s32 @p0 $0x1  }
0x13: {  	[smem:$0x3FB3] =	sst s0;
	s0 =	simm.s32 @!p1 $0x0  }
0x14: {  	s2 =	sld [smem:$0x3F97];
	s0 =	simm.s32 @p1 $0x1  }
0x15: {  	[smem:$0x3FB4] =	sst s0;
	s0 =	simm.s32 @!p2 $0x0  }
0x16: {  	s3 =	sld [smem:$0x3FDB];
	s0 =	simm.s32 @p2 $0x1  }
0x17: {  	s4 =	simm.s32 $0x1BF5;
	[smem:$0x3FB6] =	sst s0  }
0x18: {  	s0 =	sld [smem:$0x3F99];
	_ =	swait.ge [sflag:s4], $0x0  }
0x19: {  	s7 =	sld [smem:$0x3F9A]  }
0x1a: {  	s8 =	sadd.s32 $0xFFFFE003, lr  }
0x1b: {  	s9 =	sadd.s32 $0xFFFFFEF7, lr;
	s5 =	simm.s32 $0xFFFFFFFF;
	p2 =	slt.u32 s8, $0xFFFFF086  }
0x1c: {  	p1 =	slt.u32 s9, $0xF7A;
	s5 =	simm.s32 @!p2 $0x0  }
0x1d: {  	s5 =	simm.s32 @p1 $0x1;
	p0 =	seq.s32 s7, s2  }
0x1e: {  	s7 =	smul.u32 @!p0 $0xF7A, s2;
	p2 =	seq.s32 @!p0 s5, $0x0  }
0x1f: {  	s9 =	smul.u32 $0xF7A, s1;
	s8 =	simm.s32 @!p0 $0x1BF5;
	p2 =	por !p2, p0  }
0x20: {  	[sflag:s8] =	ssyncset.s32 @!p0 $0xFFFFF086;
	s6 =	sadd.s32 @!p0 s3, s7;
	s7 =	simm.s32 @!p0 $0x108  }
0x21: {  	s3 =	sadd.s32 s3, s9;
	s6 =	sadd.s32 @!p0 $0x88, s6;
	s7 =	simm.s32 @p2 $0x1082  }
0x22: {  	[simem:s7], [sflag:s8] =	dma.local @!p0 [hbm:s6], $0xF7A  }
0x23: {  	s9 =	sor.u32 $0xD0000000, s2;
	s6 =	simm.s32 $0x108;
	_ =	swait.ge @!p0 [sflag:s8], $0x0  }
0x24: {  	s3 =	sadd.s32 $0x88, s3;
	s6 =	simm.s32 @!p1 $0x1082;
	[sflag:s4] =	ssyncset.s32 $0xFFFFF086  }
0x25: {  	[simem:s6], [sflag:s4] =	dma.local [hbm:s3], $0xF7A  }
0x26: {  	[smem:$0x3F9A] =	sst s1;
	(tag) =	ssettag s2;
	_ =	strace s9  }
0x27: {  	s1 =	sld [smem:$0x3FAA]  }
0x28: {  	s2 =	sld [smem:$0x3FAB]  }
0x29: {  	s4 =	sld [smem:$0x3FAD]  }
0x2a: {  	p0 =	seq.s32 s5, $0x0;
	s5 =	sld [smem:$0x3FAE]  }
0x2b: {  	s6 =	sld [smem:$0x3FAF]  }
0x2c: {  	s7 =	sld [smem:$0x3FB0]  }
0x2d: {  	s3 =	simm.s32 $0x108;
	s8 =	sld [smem:$0x3FB1]  }
0x2e: {  	s3 =	simm.s32 @!p0 $0x1082;
	s9 =	sld [smem:$0x3FB2]  }
0x2f: {  	lr =	sadd.s32 s0, s3;
	s0 =	sld [smem:$0x3FA9]  }
0x30: {  	s3 =	sld [smem:$0x3FAC]  }
0x31: {  	[smem:$0x3FB5] =	sst s10  }
0x32: {  	s10 =	sld [smem:$0x3FB3];
	_ =	sdelay $0x3  }
0x33: {  	p0 =	seq.s32 s10, $0x1;
	s10 =	sld [smem:$0x3FB5];
	_ =	sdelay $0x3  }
0x34: {  	[smem:$0x3FB5] =	sst s10  }
0x35: {  	s10 =	sld [smem:$0x3FB4];
	_ =	sdelay $0x3  }
0x36: {  	p1 =	seq.s32 s10, $0x1;
	s10 =	sld [smem:$0x3FB5];
	_ =	sdelay $0x3  }
0x37: {  	[smem:$0x3FB5] =	sst s10  }
0x38: {  	s10 =	sld [smem:$0x3FB6]  }
0x39: {  	_ = 	snop;
	(pc) =	sbr.ind lr, $3  }
0x3a: {  	_ = 	snop  }
0x3b: {  	_ = 	snop  }
0x3c: {  	p2 =	seq.s32 s10, $0x1;
	s10 =	sld [smem:$0x3FB5]  }
0x3d: {  	_ =	shalt  }
0x3e: {  	_ =	shalt  }
0x3f: {  	_ =	shalt  }
0x40: {  	_ =	shalt  }
0x41: {  	_ =	shalt  }
0x42: {  	_ =	shalt  }
0x43: {  	_ =	shalt  }
0x44: {  	_ =	shalt  }
0x45: {  	_ =	shalt  }
0x46: {  	_ =	shalt  }
0x47: {  	_ =	shalt  }
0x48: {  	_ =	shalt  }
0x49: {  	_ =	shalt  }
0x4a: {  	_ =	shalt  }
0x4b: {  	_ =	shalt  }
0x4c: {  	_ =	shalt  }
0x4d: {  	_ =	shalt  }
0x4e: {  	_ =	shalt  }
0x4f: {  	_ =	shalt  }
0x50: {  	_ =	shalt  }
0x51: {  	_ =	shalt  }
0x52: {  	_ =	shalt  }
0x53: {  	_ =	shalt  }
0x54: {  	_ =	shalt  }
0x55: {  	_ =	shalt  }
0x56: {  	_ =	shalt  }
0x57: {  	_ =	shalt  }
0x58: {  	_ =	shalt  }
0x59: {  	_ =	shalt  }
0x5a: {  	_ =	shalt  }
0x5b: {  	_ =	shalt  }
0x5c: {  	_ =	shalt  }
0x5d: {  	_ =	shalt  }
0x5e: {  	_ =	shalt  }
0x5f: {  	_ =	shalt  }
0x60: {  	_ =	shalt  }
0x61: {  	_ =	shalt  }
0x62: {  	_ =	shalt  }
0x63: {  	_ =	shalt  }
0x64: {  	_ =	shalt  }
0x65: {  	_ =	shalt  }
0x66: {  	_ =	shalt  }
0x67: {  	_ =	shalt  }
0x68: {  	_ =	shalt  }
0x69: {  	_ =	shalt  }
0x6a: {  	_ =	shalt  }
0x6b: {  	_ =	shalt  }
0x6c: {  	_ =	shalt  }
0x6d: {  	_ =	shalt  }
0x6e: {  	_ =	shalt  }
0x6f: {  	_ =	shalt  }
0x70: {  	_ =	shalt  }
0x71: {  	_ =	shalt  }
0x72: {  	_ =	shalt  }
0x73: {  	_ =	shalt  }
0x74: {  	_ =	shalt  }
0x75: {  	_ =	shalt  }
0x76: {  	_ =	shalt  }
0x77: {  	_ =	shalt  }
0x78: {  	_ =	shalt  }
0x79: {  	_ =	shalt  }
0x7a: {  	_ =	shalt  }
0x7b: {  	_ =	shalt  }
0x7c: {  	_ =	shalt  }
0x7d: {  	_ =	shalt  }
0x7e: {  	_ =	shalt  }
0x7f: {  	_ =	shalt  }
0x80: {  	_ =	shalt  }
0x81: {  	_ =	shalt  }
0x82: {  	_ =	shalt  }
0x83: {  	_ =	shalt  }
0x84: {  	_ =	shalt  }
0x85: {  	_ =	shalt  }
0x86: {  	_ =	shalt  }
0x87: {  	_ =	shalt  }
.Lfunc_end0:
.L_simem_size_0:
called_computation_lowered:
.L_overlay_start_0:
0x88: {  	s2 =	sld [smem:$0x3FD9]  }
0x89: {  	s3 =	sld [smem:$0x3FFE];
	_ =	sdelay $0x1  }
0x8a: {  	s1 =	srdreg.scid  }
0x8b: {  	s0 =	sand.u32 $0x1, s1  }
0x8c: {  	s14 =	sshll.u32 s0, $0xA;
	s2 =	sadd.s32 s3, s2  }
0x8d: {  	s2 =	sadd.s32 s2, s14  }
0x8e: {  	[smem:$0x3FC1] =	sst s2  }
0x8f: {  	_ = 	snop  }
0x90: {  	s2 =	sld [smem:$0x3FD0];
	_ =	sdelay $0x2  }
0x91: {  	s15 =	simm.s32 $0xA;
	s4 =	simm.s32 $0x10  }
0x92: {  	[smem:s4], [sflag:s15] =	dma.local [hbm:s2], $0x1  }
0x93: {  	_ =	swait.eq [sflag:s15], $0x1  }
0x94: {  	[sflag:s15] =	ssyncset.done $0x0  }
0x95: {  	s16 =	sld [smem:$0x11];
	[sflag:s15] =	ssyncadd.s32 $0xFFFFFFFF  }
0x96: {  	s17 =	sld [smem:$0x13];
	(tm) =	ssettm $0x1  }
0x97: {  	s18 =	sld [smem:$0x3FFB];
	_ =	sdelay $0x3  }
0x98: {  	_ =	strace s18  }
0x99: {  	s4 =	sld [smem:$0x3FFC];
	_ =	sdelay $0x3  }
0x9a: {  	_ =	strace s4  }
0x9b: {  	s4 =	sld [smem:$0x3FFD];
	_ =	sdelay $0x3  }
0x9c: {  	_ =	strace s4  }
0x9d: {  	_ =	strace $0x8FFFFFFF  }
0x9e: {  	s19 =	sld [smem:$0x3FDB];
	_ =	sdelay $0x1  }
0x9f: {  	s5 =	simm.s32 $_scs_section_size  }
0xa0: {  	s6 =	simm.s32 $_size__tile_overlayer_lowered;
	s7 =	simm.s32 $_tile_overlayer_lowered  }
0xa1: {  	s22 =	simm.s32 $0x1BFF;
	s21 =	sshll.u32 s7, $0x1;
	s4 =	sadd.s32 s5, s19  }
0xa2: {  	s8 =	simm.s32 $0x0;
	s20 =	sshll.u32 s6, $0x1;
	s6 =	sadd.s32 s21, s4  }
0xa3: {  	[timem:s8], [sflag:s22] =	dma.local [hbm:s6], s20  }
0xa4: {  	_ =	swait.ge [sflag:s22], s20  }
0xa5: {  	s5 =	ssub.s32 $0x0, s20;
	[sflag:s22] =	ssyncset.done $0x0  }
0xa6: {  	[sflag:s22] =	ssyncadd.s32 s5;
	_ =	sdelay $0x1  }
0xa7: {  	s23 =	simm.s32 $0x1B8B  }
0xa8: {  	_ =	swait.ge [sflag:s23], $0x1  }
0xa9: {  	[sflag:s23] =	ssyncset.done $0x0  }
0xaa: {  	s25 =	simm.s32 $0x1B8E;
	s24 =	sld [smem:$0x3FFE];
	[sflag:s23] =	ssyncadd.s32 $0xFFFFFFFF  }
0xab: {  	s26 =	simm.s32 $execute0_lowered;
	[smem:$0x3FD2] =	sst s25  }
0xac: {  	s6 =	sshll.u32 s26, $0x1;
	_ =	strace $0x80000046;
	[dreg:$0x1] =	wrdreg $0xFFFFFFFF  }
0xad: {  	s28 =	simm.s32 $_size_execute0_lowered;
	s4 =	sadd.s32 s4, s6;
	[dreg:$0x0] =	wrdreg $0x0  }
0xae: {  	s6 =	sshll.u32 s28, $0x1;
	[dreg:$0x2] =	wrdreg s4  }
0xaf: {  	[dreg:$0x3] =	wrdreg s6  }
0xb0: {  	[dreg:$0x4] =	wrdreg $0xC0  }
0xb1: {  	_ =	task [dreg:s8], $0x5FFFF  }
0xb2: {  	[dreg:$0x1] =	wrdreg $0xFFFFFFFF  }
0xb3: {  	[dreg:$0x0] =	wrdreg $0x60  }
0xb4: {  	[dreg:$0x2] =	wrdreg s17  }
0xb5: {  	[dreg:$0x3] =	wrdreg s24  }
0xb6: {  	[dreg:$0x4] =	wrdreg s16  }
0xb7: {  	[dreg:$0x5] =	wrdreg $0x0  }
0xb8: {  	[dreg:$0x6] =	wrdreg $0x9  }
0xb9: {  	_ =	task.clear_ibuf [dreg:s8], $0x7FFFF;
	_ =	strace $0x90000046  }
0xba: {  	s29 =	simm.s32 $0x9;
	_ =	strace $0x80000048  }
0xbb: {  	_ =	swait.ge [sflag:s29], $0x1  }
0xbc: {  	[sflag:s29] =	ssyncadd.s32 $0xFFFFFFFF  }
0xbd: {  	_ =	strace $0x90000048  }
0xbe: {  	_ =	sfence  }
0xbf: {  	s30 =	sld [smem:$0x0];
	_ =	sdelay $0x2  }
0xc0: {  	s31 =	sshll.u32 s1, $0xD;
	s1 =	sshrl.u32 s1, $0x2  }
0xc1: {  	s3 =	sand.u32 $0x4000, s31;
	s1 =	sadd.s32 s1, s30  }
0xc2: {  	s0 =	sor.u32 s3, s0;
	s1 =	sshll.u32 s1, $0x11  }
0xc3: {  	s0 =	sor.u32 s1, s0  }
0xc4: {  	s0 =	sadd.s32 $0x8F2B, s0  }
0xc5: {  	[sflag:s0] =	ssyncadd.remote.s32 $0x1  }
0xc6: {  	_ =	sfence.sel $0xFFFF  }
0xc7: {  	[dreg:$0x0] =	wrdreg $0xFFFFFFFF;
	(pc) =	sbr.abs _section_cstart, $3  }
0xc8: {  	[dreg:$0x1] =	wrdreg $0xFFFFFFFF  }
0xc9: {  	_ =	task.clear_ibuf [dreg:s8], $0x2FFFF;
	_ =	strace $0x9FFFFFFF  }
0xca: {  	(tm) =	ssettm $0x7FFFFFFF  }
0xcb: {  	_ =	shalt  }
tec
execute0_lowered:
.L_overlay_start_1:
0x0: {  	(tag) =	ssettag $0x1  }
0x1: {  	s11 =	rddreg [dreg:$0x0]  }
0x2: {  	s7 =	rddreg [dreg:$0x1]  }
0x3: {  	s2 =	rddreg [dreg:$0x2]  }
0x4: {  	s3 =	rddreg [dreg:$0x3]  }
0x5: {  	s0 =	rddreg [dreg:$0x4]  }
0x6: {  	s1 =	stileid.u32;
	s4 =	simm.s32 $0x0;
	s5 =	srdreg.scid  }
0x7: {  	s17 =	simm.s32 $0x1;
	s19 =	simm.s32 $0x14880;
	s20 =	simm.s32 $0x13880  }
0x8: {  	s21 =	simm.s32 $0x50;
	s22 =	simm.s32 $0x0;
	s8 =	smul.u32 $0x13800, s1  }
0x9: {  	[smem:$0x7FF] =	sst s4;
	s5 =	sand.u32 $0x1, s5;
	s12 =	smul.u32 $0x4E000, s1  }
0xa: {  	s13 =	sadd.s32 $0x28C00, s7;
	s28 =	sshll.u32 s1, $0x6;
	s18 =	sadd.s32 $0x138000, s3  }
0xb: {  	p0 =	sne.s32 s1, $0xF;
	_ =	strace $0x80000047;
	s9 =	ssub.s32 $0x2, s5  }
0xc: {  	s26 =	sshll.u32 s5, $0x4;
	s14 =	smul.u32 $0x138800, s5;
	s18 =	sshrl.u32 @!p0 s18, $0x3  }
0xd: {  	s6 =	sshrl.u32 s8, $0x3;
	s10 =	sshrl.u32 s9, $0x1;
	s12 =	sshrl.u32 s12, $0x2  }
0xe: {  	s6 =	sadd.s32 s6, s7;
	s10 =	ssub.s32 s9, s10;
	s9 =	sor.u32 s1, s26  }
0xf: {  	s16 =	sadd.s32 s12, s3;
	s8 =	sadd.s32 s8, s14;
	s29 =	sshrl.u32 s14, $0x3  }
0x10: {  	s7 =	sadd.s32 $0x28A00, s7;
	s5 =	sadd.s32 $0x1A00, s6;
	s30 =	smul.u32 $0xA00, s9  }
0x11: {  	s6 =	sor.u32 $0x1C01, s28;
	s8 =	sshrl.u32 s8, $0x3;
	s31 =	sadd.s32 s13, s29  }
0x12: {  	s10 =	smax.u32 s10, $0x1;
	s16 =	sshrl.u32 s16, $0x3;
	s11 =	sadd.s32 s11, s30  }
0x13: {  	s8 =	sadd.s32 s13, s8;
	s9 =	sadd.s32 $0x27000, s31;
	s12 =	sadd.s32 $0x200, s11  }
0x14: {  	s13 =	sadd.s32 $0x400, s11;
	s14 =	sadd.s32 $0x600, s11;
	s15 =	sadd.s32 $0x800, s11  }
.LBB2_1:
0x15: {  	[spmem:s16], [sflag:s6] =	dma.local [hbm:s5], $0x2700  }
0x16: {  	_ =	swait.ge [sflag:s17], $0x2700  }
0x17: {  	[sflag:s17] =	ssyncset.done $0x0  }
0x18: {  	s23 =	simm.s32 @!p0 $0x1;
	[sflag:s17] =	ssyncadd.s32 $0xFFFFD900  }
0x19: {  	[spmem:s18], [sflag:s6] =	dma.local @!p0 [hbm:s7], $0x100  }
0x1a: {  	_ =	swait.ge @!p0 [sflag:s23], $0x100  }
0x1b: {  	[sflag:s23] =	ssyncset.done @!p0 $0x0  }
0x1c: {  	[sflag:s23] =	ssyncadd.s32 @!p0 $0xFFFFFF00  }
0x1d: {  	[tilespmem:s19], [sflag:$0x1] =	stream.linear.gather [hbm4b:s2+s4], $0x2800, $0x38;
	[tilespmem:$0x17080] =	vst v63  }
0x1e: {  	_ =	swait.ge [sflag:s17], $0x2800  }
0x1f: {  	[sflag:s17] =	ssyncset.done $0x0  }
0x20: {  	[sflag:s17] =	ssyncadd.s32 $0xFFFFD800  }
0x21: {  	[bflag:$0x0] =	sbarrier.arrive $0xFFFF  }
0x22: {  	[tilespmem:s20], [sflag:$0x1] =	stream.linear.gather [hbm4b:s11+s4], $0xC80, $0x38;
	[tilespmem:$0x17080] =	vst v63  }
0x23: {  	_ =	swait.ge [sflag:s17], $0xC80  }
0x24: {  	[sflag:s17] =	ssyncset.done $0x0  }
0x25: {  	s31 =	simm.s32 $0x13880;
	[sflag:s17] =	ssyncadd.s32 $0xFFFFF380  }
0x26: {  	[spmem:s3] =	stream.indirect.scatter.add.f32 [tilespmem:s19], [sflag:$0x1], $0x80, s31, s21, $0xb8;
	[tilespmem:$0x17080] =	vst v63  }
0x27: {  	s23 =	simm.s32 $0x200;
	_ =	swait.ge [sflag:s17], $0x2800  }
.LBB2_2:
0x28: {  	s24 =	sshra.s32 s23, $0x2;
	[sflag:s17] =	ssyncset.done $0x0;
	p1 =	sne.s32 s23, $0x3000  }
.Ltmp0:
0x29: {  	s24 =	sadd.s32 $0x13880, s24;
	[sflag:s17] =	ssyncadd.s32 $0xFFFFD800;
	(pc) =	sbr.rel @p1 .LBB2_2-.Ltmp0, $3  }
0x2a: {  	[spmem:s3] =	stream.indirect.scatter.add.f32 [tilespmem:s19], [sflag:$0x1], $0x80, s24, s21, $0xb8;
	[tilespmem:$0x17080] =	vst v63  }
0x2b: {  	s23 =	sadd.s32 $0x200, s23;
	_ =	sdelay $0x1  }
0x2c: {  	_ =	swait.ge [sflag:s17], $0x2800  }
0x2d: {  	[sflag:s17] =	ssyncset.done $0x0  }
0x2e: {  	s23 =	simm.s32 $0x0;
	[sflag:s17] =	ssyncadd.s32 $0xFFFFD800  }
0x2f: {  	[tilespmem:s20], [sflag:$0x1] =	stream.linear.gather [hbm4b:s12+s23], $0xC80, $0x38;
	[tilespmem:$0x17080] =	vst v63  }
0x30: {  	_ =	swait.ge [sflag:s17], $0xC80  }
0x31: {  	[sflag:s17] =	ssyncset.done $0x0  }
0x32: {  	s31 =	simm.s32 $0x13880;
	[sflag:s17] =	ssyncadd.s32 $0xFFFFF380  }
0x33: {  	[spmem:s3] =	stream.indirect.scatter.add.f32 [tilespmem:s19], [sflag:$0x1], $0x80, s31, s21, $0xb8;
	[tilespmem:$0x17080] =	vst v63  }
0x34: {  	s23 =	simm.s32 $0x200;
	_ =	swait.ge [sflag:s17], $0x2800  }
.LBB2_4:
0x35: {  	s24 =	sshra.s32 s23, $0x2;
	[sflag:s17] =	ssyncset.done $0x0;
	p1 =	sne.s32 s23, $0x3000  }
.Ltmp1:
0x36: {  	s24 =	sadd.s32 $0x13880, s24;
	[sflag:s17] =	ssyncadd.s32 $0xFFFFD800;
	(pc) =	sbr.rel @p1 .LBB2_4-.Ltmp1, $3  }
0x37: {  	[spmem:s3] =	stream.indirect.scatter.add.f32 [tilespmem:s19], [sflag:$0x1], $0x80, s24, s21, $0xb8;
	[tilespmem:$0x17080] =	vst v63  }
0x38: {  	s23 =	sadd.s32 $0x200, s23;
	_ =	sdelay $0x1  }
0x39: {  	_ =	swait.ge [sflag:s17], $0x2800  }
0x3a: {  	[sflag:s17] =	ssyncset.done $0x0  }
0x3b: {  	s23 =	simm.s32 $0x0;
	[sflag:s17] =	ssyncadd.s32 $0xFFFFD800  }
0x3c: {  	[tilespmem:s20], [sflag:$0x1] =	stream.linear.gather [hbm4b:s13+s23], $0xC80, $0x38;
	[tilespmem:$0x17080] =	vst v63  }
0x3d: {  	_ =	swait.ge [sflag:s17], $0xC80  }
0x3e: {  	[sflag:s17] =	ssyncset.done $0x0  }
0x3f: {  	s31 =	simm.s32 $0x13880;
	[sflag:s17] =	ssyncadd.s32 $0xFFFFF380  }
0x40: {  	[spmem:s3] =	stream.indirect.scatter.add.f32 [tilespmem:s19], [sflag:$0x1], $0x80, s31, s21, $0xb8;
	[tilespmem:$0x17080] =	vst v63  }
0x41: {  	s23 =	simm.s32 $0x200;
	_ =	swait.ge [sflag:s17], $0x2800  }
.LBB2_6:
0x42: {  	s24 =	sshra.s32 s23, $0x2;
	[sflag:s17] =	ssyncset.done $0x0;
	p1 =	sne.s32 s23, $0x3000  }
.Ltmp2:
0x43: {  	s24 =	sadd.s32 $0x13880, s24;
	[sflag:s17] =	ssyncadd.s32 $0xFFFFD800;
	(pc) =	sbr.rel @p1 .LBB2_6-.Ltmp2, $3  }
0x44: {  	[spmem:s3] =	stream.indirect.scatter.add.f32 [tilespmem:s19], [sflag:$0x1], $0x80, s24, s21, $0xb8;
	[tilespmem:$0x17080] =	vst v63  }
0x45: {  	s23 =	sadd.s32 $0x200, s23;
	_ =	sdelay $0x1  }
0x46: {  	_ =	swait.ge [sflag:s17], $0x2800  }
0x47: {  	[sflag:s17] =	ssyncset.done $0x0  }
0x48: {  	s23 =	simm.s32 $0x0;
	[sflag:s17] =	ssyncadd.s32 $0xFFFFD800  }
0x49: {  	[tilespmem:s20], [sflag:$0x1] =	stream.linear.gather [hbm4b:s14+s23], $0xC80, $0x38;
	[tilespmem:$0x17080] =	vst v63  }
0x4a: {  	_ =	swait.ge [sflag:s17], $0xC80  }
0x4b: {  	[sflag:s17] =	ssyncset.done $0x0  }
0x4c: {  	s31 =	simm.s32 $0x13880;
	[sflag:s17] =	ssyncadd.s32 $0xFFFFF380  }
0x4d: {  	[spmem:s3] =	stream.indirect.scatter.add.f32 [tilespmem:s19], [sflag:$0x1], $0x80, s31, s21, $0xb8;
	[tilespmem:$0x17080] =	vst v63  }
0x4e: {  	s23 =	simm.s32 $0x200;
	_ =	swait.ge [sflag:s17], $0x2800  }
.LBB2_8:
0x4f: {  	s24 =	sshra.s32 s23, $0x2;
	[sflag:s17] =	ssyncset.done $0x0;
	p1 =	sne.s32 s23, $0x3000  }
.Ltmp3:
0x50: {  	s24 =	sadd.s32 $0x13880, s24;
	[sflag:s17] =	ssyncadd.s32 $0xFFFFD800;
	(pc) =	sbr.rel @p1 .LBB2_8-.Ltmp3, $3  }
0x51: {  	[spmem:s3] =	stream.indirect.scatter.add.f32 [tilespmem:s19], [sflag:$0x1], $0x80, s24, s21, $0xb8;
	[tilespmem:$0x17080] =	vst v63  }
0x52: {  	s23 =	sadd.s32 $0x200, s23;
	_ =	sdelay $0x1  }
0x53: {  	_ =	swait.ge [sflag:s17], $0x2800  }
0x54: {  	[sflag:s17] =	ssyncset.done $0x0  }
0x55: {  	s23 =	simm.s32 $0x0;
	[sflag:s17] =	ssyncadd.s32 $0xFFFFD800  }
0x56: {  	[tilespmem:s20], [sflag:$0x1] =	stream.linear.gather [hbm4b:s15+s23], $0xC80, $0x38;
	[tilespmem:$0x17080] =	vst v63  }
0x57: {  	_ =	swait.ge [sflag:s17], $0xC80  }
0x58: {  	[sflag:s17] =	ssyncset.done $0x0  }
0x59: {  	s31 =	simm.s32 $0x13880;
	[sflag:s17] =	ssyncadd.s32 $0xFFFFF380  }
0x5a: {  	[spmem:s3] =	stream.indirect.scatter.add.f32 [tilespmem:s19], [sflag:$0x1], $0x80, s31, s21, $0xb8;
	[tilespmem:$0x17080] =	vst v63  }
0x5b: {  	s23 =	simm.s32 $0x200;
	_ =	swait.ge [sflag:s17], $0x2800  }
.LBB2_10:
0x5c: {  	s24 =	sshra.s32 s23, $0x2;
	[sflag:s17] =	ssyncset.done $0x0;
	p1 =	sne.s32 s23, $0x3000  }
.Ltmp4:
0x5d: {  	s24 =	sadd.s32 $0x13880, s24;
	[sflag:s17] =	ssyncadd.s32 $0xFFFFD800;
	(pc) =	sbr.rel @p1 .LBB2_10-.Ltmp4, $3  }
0x5e: {  	[spmem:s3] =	stream.indirect.scatter.add.f32 [tilespmem:s19], [sflag:$0x1], $0x80, s24, s21, $0xb8;
	[tilespmem:$0x17080] =	vst v63  }
0x5f: {  	s23 =	sadd.s32 $0x200, s23;
	_ =	sdelay $0x1  }
0x60: {  	_ =	swait.ge [sflag:s17], $0x2800  }
0x61: {  	[sflag:s17] =	ssyncset.done $0x0  }
0x62: {  	[sflag:s17] =	ssyncadd.s32 $0xFFFFD800  }
0x63: {  	[bflag:$0x0] =	sbarrier.arrive $0xFFFF  }
0x64: {  	[hbm:s8], [sflag:s6] =	dma.local [spmem:s16], $0x2700  }
0x65: {  	s22 =	sadd.s32 $0x1, s22;
	_ =	swait.ge [sflag:s17], $0x2700  }
0x66: {  	p1 =	sne.s32 s22, s10;
	[sflag:s17] =	ssyncset.done $0x0  }
.Ltmp5:
0x67: {  	s23 =	simm.s32 @!p0 $0x1;
	[sflag:s17] =	ssyncadd.s32 $0xFFFFD900;
	(pc) =	sbr.rel @p1 .LBB2_1-.Ltmp5, $4  }
0x68: {  	[hbm:s9], [sflag:s6] =	dma.local @!p0 [spmem:s18], $0x100  }
0x69: {  	_ =	swait.ge @!p0 [sflag:s23], $0x100  }
0x6a: {  	[sflag:s23] =	ssyncset.done @!p0 $0x0  }
0x6b: {  	[sflag:s23] =	ssyncadd.s32 @!p0 $0xFFFFFF00  }
0x6c: {  	_ =	sfence.sel $0x180000  }
0x6d: {  	[bflag:$0x0] =	sbarrier.arrive $0xFFFF  }
0x6e: {  	p0 =	sne.s32 s1, $0x0;
	_ =	strace $0x90000047  }
0x6f: {  	s0 =	sadd.s32 @!p0 $0x100000, s0;
	[bflag:$0x2] =	sbarrier.arrive $0xFFFF  }
0x70: {  	[sflag:s0] =	ssyncadd.tile.s32 @!p0 $0x1;
	_ =	shalt  }
.Lfunc_end2:
_tile_overlayer_lowered:
.L_overlay_start_2:
0x71: {  	(tag) =	ssettag $0x2  }
0x72: {  	s0 =	rddreg [dreg:$0x0];
	s2 =	stileid.u32  }
0x73: {  	s1 =	rddreg [dreg:$0x1];
	p0 =	sne.s32 s2, $0x0  }
0x74: {  	s3 =	rddreg [dreg:$0x2];
	[bflag:$0x3] =	sbarrier.arrive $0xFFFF;
	s2 =	simm.s32 @!p0 $0x1C01  }
0x75: {  	[timem:s3], [sflag:s2] =	dma.local @!p0 [hbm:s0], s1  }
0x76: {  	s0 =	simm.s32 @!p0 $0x1  }
0x77: {  	_ =	swait.ge @!p0 [sflag:s0], s1  }
0x78: {  	s1 =	ssub.s32 @!p0 $0x0, s1;
	[sflag:s0] =	ssyncset.done @!p0 $0x0  }
0x79: {  	[sflag:s0] =	ssyncadd.s32 @!p0 s1  }
0x7a: {  	[bflag:$0x3] =	sbarrier.arrive $0xFFFF  }
0x7b: {  	_ =	shalt  }

</sc_bundles>
